<compile_context>
chip_gen: v7x
topology: tpu7x:2x2x1
jax: 0.10.2.dev20260603
libtpu: 0.0.44.dev20260713+nightly
codegen_flags: <defaults>
</compile_context>

<pallas_src>
import functools

import jax
import jax.numpy as jnp
from jax import lax
from jax.experimental import pallas as pl
from jax.experimental.pallas import tpu as pltpu
from jax.experimental.pallas import tpu_sc as plsc

N_NODES = 10000
D = 128
N_EDGES = 320000

NC = 2
NS = 16
NW = NC * NS

C = 128
CPT = 80
NCHUNKS = NW * CPT
EPAD = NCHUNKS * C
NBUF = 2

NPAD = 10240
ROWS_PER_TILE = NPAD // NS


HALF = CPT // 2


def _make_seg():
    mesh = plsc.VectorSubcoreMesh(core_axis_name="c", subcore_axis_name="s")

    scratch = (
        [pltpu.VMEM((HALF, C), jnp.int32)] * 2
        + [pltpu.VMEM((C, D), jnp.float32)] * NBUF
        + [pltpu.VMEM((16, D), jnp.float32)]
        + [pltpu.VMEM_SHARED((NPAD, D), jnp.float32)]
        + [pltpu.SemaphoreType.DMA] * NBUF
    )

    def body(vals_hbm, srcp_hbm, dstp_hbm, p_hbm, *rest):
        sidxa = rest[0]
        didxa = rest[1]
        rows = rest[2 : 2 + NBUF]
        zrow = rest[2 + NBUF]
        acc = rest[3 + NBUF]
        sems = rest[4 + NBUF : 4 + 2 * NBUF]

        cid = lax.axis_index("c")
        sid = lax.axis_index("s")
        cbase = (sid * NC + cid) * CPT

        def zb(i, carry):
            for j in range(D // 16):
                zrow[i, pl.ds(j * 16, 16)] = jnp.zeros((16,), jnp.float32)
            return carry

        with jax.named_scope("zinit"):
            lax.fori_loop(0, 16, zb, 0)

        def zc(k, carry):
            pltpu.sync_copy(zrow, acc.at[pl.ds(sid * ROWS_PER_TILE + k * 16, 16)])
            return carry

        with jax.named_scope("zcopy"):
            lax.fori_loop(0, ROWS_PER_TILE // 16, zc, 0)

        plsc.subcore_barrier()

        def issue(b, ci):
            pltpu.async_copy(vals_hbm.at[sidxa.at[ci]], rows[b], sems[b])

        def drain(b, ci):
            pltpu.make_async_copy(vals_hbm.at[sidxa.at[ci]], rows[b], sems[b]).wait()
            pltpu.sync_copy(rows[b], acc.at[didxa.at[ci]], add=True)

        with jax.named_scope("mainloop"):
            for h in range(CPT // HALF):
                hb = cbase + h * HALF
                pltpu.sync_copy(srcp_hbm.at[pl.ds(hb, HALF)], sidxa)
                pltpu.sync_copy(dstp_hbm.at[pl.ds(hb, HALF)], didxa)
                for b in range(NBUF):
                    issue(b, b)

                def step(g, carry):
                    for b in range(NBUF):
                        ci = g * NBUF + b
                        drain(b, ci)
                        issue(b, ci + NBUF)
                    return carry

                lax.fori_loop(0, HALF // NBUF - 1, step, 0)
                for b in range(NBUF):
                    drain(b, HALF - NBUF + b)

        with jax.named_scope("outbar"):
            plsc.subcore_barrier()

        with jax.named_scope("outcopy"):
            rbase = sid * ROWS_PER_TILE
            pltpu.sync_copy(
                acc.at[pl.ds(rbase, ROWS_PER_TILE)],
                p_hbm.at[pl.ds(cid * NPAD + rbase, ROWS_PER_TILE)],
            )

    return pl.kernel(
        body,
        out_type=(jax.ShapeDtypeStruct((NC * NPAD, D), jnp.float32),),
        mesh=mesh,
        scratch_types=scratch,
        compiler_params=pltpu.CompilerParams(needs_layout_passes=False),
    )


def _make_counts():
    mesh = plsc.VectorSubcoreMesh(core_axis_name="c", subcore_axis_name="s")

    scratch = [
        pltpu.VMEM((CPT, C), jnp.int32),
        pltpu.VMEM((NPAD,), jnp.float32),
    ]

    def body(dstp_hbm, cnt_hbm, didxa, cntv):
        cid = lax.axis_index("c")
        sid = lax.axis_index("s")
        wid = sid * NC + cid

        def zcnt(i, carry):
            cntv[pl.ds(i * 16, 16)] = jnp.zeros((16,), jnp.float32)
            return carry

        with jax.named_scope("zcnt"):
            lax.fori_loop(0, NPAD // 16, zcnt, 0)

        with jax.named_scope("cntidx"):
            pltpu.sync_copy(dstp_hbm.at[pl.ds(wid * CPT, CPT)], didxa)

        ones16 = jnp.ones((16,), jnp.float32)

        def cstep(ci, carry):
            for j in range(C // 16):
                dvec = didxa[ci, pl.ds(j * 16, 16)]
                plsc.addupdate_scatter(cntv, [dvec], ones16)
            return carry

        with jax.named_scope("cntloop"):
            lax.fori_loop(0, CPT, cstep, 0)

        with jax.named_scope("cntout"):
            pltpu.sync_copy(cntv, cnt_hbm.at[wid])

    return pl.kernel(
        body,
        out_type=(jax.ShapeDtypeStruct((NW, NPAD), jnp.float32),),
        mesh=mesh,
        scratch_types=scratch,
        compiler_params=pltpu.CompilerParams(needs_layout_passes=False),
    )


_SEG = _make_seg()
_COUNTS = _make_counts()

BLK = 1024


def _combine_body(p0_ref, p1_ref, cnt_ref, v_ref, wl_ref, wr_ref, b_ref, o_ref, *, act):
    cnt = jnp.sum(cnt_ref[...], axis=0)
    recip = 1.0 / jnp.maximum(cnt, 1.0)
    agg = (p0_ref[...] + p1_ref[...]) * recip[:, None]
    r = (
        jnp.dot(agg, wl_ref[...], preferred_element_type=jnp.float32)
        + jnp.dot(v_ref[...], wr_ref[...], preferred_element_type=jnp.float32)
        + b_ref[...]
    )
    o_ref[...] = act(r)


def _make_combine(act):
    return pl.pallas_call(
        functools.partial(_combine_body, act=act),
        grid=(NPAD // BLK,),
        in_specs=[
            pl.BlockSpec((BLK, D), lambda i: (i, 0)),
            pl.BlockSpec((BLK, D), lambda i: (i + NPAD // BLK, 0)),
            pl.BlockSpec((NW, BLK), lambda i: (0, i)),
            pl.BlockSpec((BLK, D), lambda i: (i, 0)),
            pl.BlockSpec((D, D), lambda i: (0, 0)),
            pl.BlockSpec((D, D), lambda i: (0, 0)),
            pl.BlockSpec((1, D), lambda i: (0, 0)),
        ],
        out_specs=pl.BlockSpec((BLK, D), lambda i: (i, 0)),
        out_shape=jax.ShapeDtypeStruct((NPAD, D), jnp.float32),
    )


_COMBINE_RELU = _make_combine(jax.nn.relu)
_COMBINE_SIGMOID = _make_combine(jax.nn.sigmoid)


def kernel(x, edge_index, W1_l, b1, W1_r, W2_l, b2, W2_r):
    src = edge_index[0].astype(jnp.int32)
    dst = edge_index[1].astype(jnp.int32)
    pad_e = EPAD - N_EDGES
    pad_iota = jnp.arange(pad_e, dtype=jnp.int32)
    srcp = jnp.concatenate([src, pad_iota % N_NODES]).reshape(NCHUNKS, C)
    dstp = jnp.concatenate(
        [dst, N_NODES + pad_iota % (NPAD - N_NODES)]
    ).reshape(NCHUNKS, C)
    xp = jnp.concatenate(
        [x.astype(jnp.float32), jnp.zeros((NPAD - N_NODES, D), jnp.float32)]
    )

    (p1,) = _SEG(xp, srcp, dstp)
    (cnt,) = _COUNTS(dstp)
    h = _COMBINE_RELU(p1, p1, cnt, xp, W1_l.T, W1_r.T, b1.reshape(1, D))
    (p2,) = _SEG(h, srcp, dstp)
    out = _COMBINE_SIGMOID(p2, p2, cnt, h, W2_l.T, W2_r.T, b2.reshape(1, D))
    return out[:N_NODES]

# --- scband reference (transcript-rebuilt; emitter-appended) ---
"""Pipeline reference for scband-food-risk-gnn-18219251270415 (READ-ONLY COPY).

The authoritative reference and input builder live on the scoring server;
editing this copy changes nothing except your own understanding.
"""

import jax, jax.numpy as jnp
import numpy as np

N_NODES = 10000
N_EDGES = 320000
D_IN = 128
D_HID = 128
D_OUT = 128


def _sage_conv(x, edge_index, W_l, b_l, W_r, num_nodes):
    # PyG SAGEConv with aggr='mean': out = lin_l(mean_aggr(x[src] -> dst)) + lin_r(x)
    src = edge_index[0]
    dst = edge_index[1]
    msgs = jnp.take(x, src, axis=0)
    summed = jax.ops.segment_sum(msgs, dst, num_segments=num_nodes)
    counts = jax.ops.segment_sum(jnp.ones((msgs.shape[0],), dtype=x.dtype), dst, num_segments=num_nodes)
    mean = summed / jnp.clip(counts, 1.0)[:, None]
    out = mean @ W_l.T + b_l + x @ W_r.T
    return out


def setup_inputs(seed: int = 0) -> dict:
    key = jax.random.key(seed)
    ks = jax.random.split(key, 8)
    x = jax.random.normal(ks[0], (N_NODES, D_IN), dtype=jnp.float32)
    edge_index = jax.random.randint(ks[1], (2, N_EDGES), 0, N_NODES, dtype=jnp.int64 if jax.config.jax_enable_x64 else jnp.int32).astype(jnp.int32)
    s1 = 1.0 / np.sqrt(D_IN)
    s2 = 1.0 / np.sqrt(D_HID)
    W1_l = jax.random.uniform(ks[2], (D_HID, D_IN), minval=-s1, maxval=s1, dtype=jnp.float32)
    b1 = jax.random.uniform(ks[3], (D_HID,), minval=-s1, maxval=s1, dtype=jnp.float32)
    W1_r = jax.random.uniform(ks[4], (D_HID, D_IN), minval=-s1, maxval=s1, dtype=jnp.float32)
    W2_l = jax.random.uniform(ks[5], (D_OUT, D_HID), minval=-s2, maxval=s2, dtype=jnp.float32)
    b2 = jax.random.uniform(ks[6], (D_OUT,), minval=-s2, maxval=s2, dtype=jnp.float32)
    W2_r = jax.random.uniform(ks[7], (D_OUT, D_HID), minval=-s2, maxval=s2, dtype=jnp.float32)
    return {"x": x, "edge_index": edge_index, "W1_l": W1_l, "b1": b1, "W1_r": W1_r, "W2_l": W2_l, "b2": b2, "W2_r": W2_r}


def reference(x, edge_index, W1_l, b1, W1_r, W2_l, b2, W2_r):
    h = _sage_conv(x, edge_index, W1_l, b1, W1_r, N_NODES)
    h = jax.nn.relu(h)
    out = _sage_conv(h, edge_index, W2_l, b2, W2_r, N_NODES)
    return jax.nn.sigmoid(out)

if __name__ == "__main__":
    import jax
    _d = setup_inputs()
    print(jax.jit(kernel)(*tuple(_d.values())))

</pallas_src>

<mosaic_0001>
#map = affine_map<(d0, d1) -> (0, 0)>
module attributes {stable_mosaic.version = 14 : i64} {
  func.func @body(%arg0: i32, %arg1: i32, %arg2: memref<10240x128xf32, #tpu.memory_space<hbm>>, %arg3: memref<2560x128xi32, #tpu.memory_space<hbm>>, %arg4: memref<2560x128xi32, #tpu.memory_space<hbm>>, %arg5: memref<20480x128xf32, #tpu.memory_space<hbm>>, %arg6: memref<40x128xi32, #tpu.memory_space<vmem>>, %arg7: memref<40x128xi32, #tpu.memory_space<vmem>>, %arg8: memref<128x128xf32, #tpu.memory_space<vmem>>, %arg9: memref<128x128xf32, #tpu.memory_space<vmem>>, %arg10: memref<16x128xf32, #tpu.memory_space<vmem>>, %arg11: memref<10240x128xf32, #tpu.memory_space<vmem_shared>>, %arg12: memref<!tpu.dma_semaphore, #tpu.memory_space<semaphore_mem>>, %arg13: memref<!tpu.dma_semaphore, #tpu.memory_space<semaphore_mem>>) attributes {dimension_semantics = [#tpu.dimension_semantics<core_parallel>, #tpu.dimension_semantics<subcore_parallel>], iteration_bounds = array<i64: 2, 16>, scalar_prefetch = 0 : i64, scratch_operands = 8 : i64, tpu.core_type = #tpu.core_type<sc_vector_subcore>, window_params = [{transform_indices = #map}, {transform_indices = #map}, {transform_indices = #map}, {transform_indices = #map}]} {
    %mul3A = arith.constant 2 : i32
    %mul3A_0 = arith.muli %arg1, %mul3A : i32
    %add3A = arith.addi %mul3A_0, %arg0 : i32
    %mul3A_1 = arith.constant 80 : i32
    %mul3A_2 = arith.muli %add3A, %mul3A_1 : i32
    "tpu.trace_start"() <{level = 10 : i32, message = "zinit"}> : () -> ()
    %scan3A = arith.constant 0 : i32
    %scan3A_3 = arith.constant 0 : i32
    %scan3A_4 = arith.constant 16 : i32
    %scan3A_5 = arith.addi %scan3A_3, %scan3A_4 : i32
    %scan3A_6 = arith.constant 1 : i32
    scf.for %scan3A_93 = %scan3A_3 to %scan3A_5 step %scan3A_6  : i32 {
      %broadcast_in_dim3A = arith.constant 0.000000e+00 : f32
      %broadcast_in_dim3A_94 = vector.broadcast %broadcast_in_dim3A : f32 to vector<16xf32>
      %swap3A = arith.index_cast %scan3A_93 : i32 to index
      %swap3A_95 = arith.constant 0 : index
      %swap3A_96 = tpu.vector_load %arg10[%swap3A, %swap3A_95] {strides = array<i32>} : memref<16x128xf32, #tpu.memory_space<vmem>>, vector<16xf32>,
      tpu.vector_store %arg10[%swap3A, %swap3A_95], %broadcast_in_dim3A_94 {strides = array<i32>} : memref<16x128xf32, #tpu.memory_space<vmem>>, vector<16xf32>,
      %broadcast_in_dim3A_97 = arith.constant 0.000000e+00 : f32
      %broadcast_in_dim3A_98 = vector.broadcast %broadcast_in_dim3A_97 : f32 to vector<16xf32>
      %swap3A_99 = arith.index_cast %scan3A_93 : i32 to index
      %swap3A_100 = arith.constant 16 : index
      %swap3A_101 = tpu.vector_load %arg10[%swap3A_99, %swap3A_100] {strides = array<i32>} : memref<16x128xf32, #tpu.memory_space<vmem>>, vector<16xf32>,
      tpu.vector_store %arg10[%swap3A_99, %swap3A_100], %broadcast_in_dim3A_98 {strides = array<i32>} : memref<16x128xf32, #tpu.memory_space<vmem>>, vector<16xf32>,
      %broadcast_in_dim3A_102 = arith.constant 0.000000e+00 : f32
      %broadcast_in_dim3A_103 = vector.broadcast %broadcast_in_dim3A_102 : f32 to vector<16xf32>
      %swap3A_104 = arith.index_cast %scan3A_93 : i32 to index
      %swap3A_105 = arith.constant 32 : index
      %swap3A_106 = tpu.vector_load %arg10[%swap3A_104, %swap3A_105] {strides = array<i32>} : memref<16x128xf32, #tpu.memory_space<vmem>>, vector<16xf32>,
      tpu.vector_store %arg10[%swap3A_104, %swap3A_105], %broadcast_in_dim3A_103 {strides = array<i32>} : memref<16x128xf32, #tpu.memory_space<vmem>>, vector<16xf32>,
      %broadcast_in_dim3A_107 = arith.constant 0.000000e+00 : f32
      %broadcast_in_dim3A_108 = vector.broadcast %broadcast_in_dim3A_107 : f32 to vector<16xf32>
      %swap3A_109 = arith.index_cast %scan3A_93 : i32 to index
      %swap3A_110 = arith.constant 48 : index
      %swap3A_111 = tpu.vector_load %arg10[%swap3A_109, %swap3A_110] {strides = array<i32>} : memref<16x128xf32, #tpu.memory_space<vmem>>, vector<16xf32>,
      tpu.vector_store %arg10[%swap3A_109, %swap3A_110], %broadcast_in_dim3A_108 {strides = array<i32>} : memref<16x128xf32, #tpu.memory_space<vmem>>, vector<16xf32>,
      %broadcast_in_dim3A_112 = arith.constant 0.000000e+00 : f32
      %broadcast_in_dim3A_113 = vector.broadcast %broadcast_in_dim3A_112 : f32 to vector<16xf32>
      %swap3A_114 = arith.index_cast %scan3A_93 : i32 to index
      %swap3A_115 = arith.constant 64 : index
      %swap3A_116 = tpu.vector_load %arg10[%swap3A_114, %swap3A_115] {strides = array<i32>} : memref<16x128xf32, #tpu.memory_space<vmem>>, vector<16xf32>,
      tpu.vector_store %arg10[%swap3A_114, %swap3A_115], %broadcast_in_dim3A_113 {strides = array<i32>} : memref<16x128xf32, #tpu.memory_space<vmem>>, vector<16xf32>,
      %broadcast_in_dim3A_117 = arith.constant 0.000000e+00 : f32
      %broadcast_in_dim3A_118 = vector.broadcast %broadcast_in_dim3A_117 : f32 to vector<16xf32>
      %swap3A_119 = arith.index_cast %scan3A_93 : i32 to index
      %swap3A_120 = arith.constant 80 : index
      %swap3A_121 = tpu.vector_load %arg10[%swap3A_119, %swap3A_120] {strides = array<i32>} : memref<16x128xf32, #tpu.memory_space<vmem>>, vector<16xf32>,
      tpu.vector_store %arg10[%swap3A_119, %swap3A_120], %broadcast_in_dim3A_118 {strides = array<i32>} : memref<16x128xf32, #tpu.memory_space<vmem>>, vector<16xf32>,
      %broadcast_in_dim3A_122 = arith.constant 0.000000e+00 : f32
      %broadcast_in_dim3A_123 = vector.broadcast %broadcast_in_dim3A_122 : f32 to vector<16xf32>
      %swap3A_124 = arith.index_cast %scan3A_93 : i32 to index
      %swap3A_125 = arith.constant 96 : index
      %swap3A_126 = tpu.vector_load %arg10[%swap3A_124, %swap3A_125] {strides = array<i32>} : memref<16x128xf32, #tpu.memory_space<vmem>>, vector<16xf32>,
      tpu.vector_store %arg10[%swap3A_124, %swap3A_125], %broadcast_in_dim3A_123 {strides = array<i32>} : memref<16x128xf32, #tpu.memory_space<vmem>>, vector<16xf32>,
      %broadcast_in_dim3A_127 = arith.constant 0.000000e+00 : f32
      %broadcast_in_dim3A_128 = vector.broadcast %broadcast_in_dim3A_127 : f32 to vector<16xf32>
      %swap3A_129 = arith.index_cast %scan3A_93 : i32 to index
      %swap3A_130 = arith.constant 112 : index
      %swap3A_131 = tpu.vector_load %arg10[%swap3A_129, %swap3A_130] {strides = array<i32>} : memref<16x128xf32, #tpu.memory_space<vmem>>, vector<16xf32>,
      tpu.vector_store %arg10[%swap3A_129, %swap3A_130], %broadcast_in_dim3A_128 {strides = array<i32>} : memref<16x128xf32, #tpu.memory_space<vmem>>, vector<16xf32>,
    }
    %scan3A_7 = arith.constant 16 : i32
    "tpu.trace_stop"() : () -> ()
    "tpu.trace_start"() <{level = 10 : i32, message = "zcopy"}> : () -> ()
    %scan3A_8 = arith.constant 0 : i32
    %scan3A_9 = arith.constant 0 : i32
    %scan3A_10 = arith.constant 40 : i32
    %scan3A_11 = arith.addi %scan3A_9, %scan3A_10 : i32
    %scan3A_12 = arith.constant 1 : i32
    scf.for %scan3A_93 = %scan3A_9 to %scan3A_11 step %scan3A_12  : i32 {
      %mul3A_94 = arith.constant 640 : i32
      %mul3A_95 = arith.muli %arg1, %mul3A_94 : i32
      %mul3A_96 = arith.constant 16 : i32
      %mul3A_97 = arith.muli %scan3A_93, %mul3A_96 : i32
      %add3A_98 = arith.addi %mul3A_95, %mul3A_97 : i32
      "tpu.region"() ({
        %run_scoped3A_99 = tpu.sem_alloc : memref<!tpu.dma_semaphore, #tpu.memory_space<semaphore_mem>>
        %dma_start3A_100 = arith.constant 0 : i32
        %dma_start3A_101 = tpu.memref_slice %arg11[%add3A_98, %dma_start3A_100] : memref<10240x128xf32, #tpu.memory_space<vmem_shared>> -> memref<16x128xf32, #tpu.memory_space<vmem_shared>>
        %dma_start3A_102 = arith.constant 0 : i32
        %dma_start3A_103 = tpu.memref_slice %arg11[%add3A_98, %dma_start3A_102] : memref<10240x128xf32, #tpu.memory_space<vmem_shared>> -> memref<16x128xf32, #tpu.memory_space<vmem_shared>>
        tpu.enqueue_dma source(%arg10 : memref<16x128xf32, #tpu.memory_space<vmem>>) target(%dma_start3A_103 : memref<16x128xf32, #tpu.memory_space<vmem_shared>>) target_semaphore(%run_scoped3A_99 : memref<!tpu.dma_semaphore, #tpu.memory_space<semaphore_mem>>)
        %dma_wait3A_104 = arith.constant 0 : i32
        %dma_wait3A_105 = tpu.memref_slice %arg11[%add3A_98, %dma_wait3A_104] : memref<10240x128xf32, #tpu.memory_space<vmem_shared>> -> memref<16x128xf32, #tpu.memory_space<vmem_shared>>
        %dma_wait3A_106 = arith.constant 0 : i32
        %dma_wait3A_107 = tpu.memref_slice %arg11[%add3A_98, %dma_wait3A_106] : memref<10240x128xf32, #tpu.memory_space<vmem_shared>> -> memref<16x128xf32, #tpu.memory_space<vmem_shared>>
        tpu.wait_dma2 semaphore(%run_scoped3A_99 : memref<!tpu.dma_semaphore, #tpu.memory_space<semaphore_mem>>) src(%arg10 : memref<16x128xf32, #tpu.memory_space<vmem>>) dst(%dma_wait3A_107 : memref<16x128xf32, #tpu.memory_space<vmem_shared>>)
        tpu.yield
      }) : () -> ()
    }
    %scan3A_13 = arith.constant 40 : i32
    "tpu.trace_stop"() : () -> ()
    %barrier3A = arith.constant 0 : index
    tpu.barrier barrier_id(%barrier3A)
    "tpu.trace_start"() <{level = 10 : i32, message = "mainloop"}> : () -> ()
    %add3A_14 = arith.constant 0 : i32
    %add3A_15 = arith.addi %mul3A_2, %add3A_14 : i32
    "tpu.region"() ({
      %run_scoped3A_93 = tpu.sem_alloc : memref<!tpu.dma_semaphore, #tpu.memory_space<semaphore_mem>>
      %dma_start3A_94 = arith.constant 0 : i32
      %dma_start3A_95 = tpu.memref_slice %arg3[%add3A_15, %dma_start3A_94] : memref<2560x128xi32, #tpu.memory_space<hbm>> -> memref<40x128xi32, #tpu.memory_space<hbm>>
      %dma_start3A_96 = arith.constant 0 : i32
      %dma_start3A_97 = tpu.memref_slice %arg3[%add3A_15, %dma_start3A_96] : memref<2560x128xi32, #tpu.memory_space<hbm>> -> memref<40x128xi32, #tpu.memory_space<hbm>>
      tpu.enqueue_dma source(%dma_start3A_97 : memref<40x128xi32, #tpu.memory_space<hbm>>) target(%arg6 : memref<40x128xi32, #tpu.memory_space<vmem>>) target_semaphore(%run_scoped3A_93 : memref<!tpu.dma_semaphore, #tpu.memory_space<semaphore_mem>>)
      %dma_wait3A_98 = arith.constant 0 : i32
      %dma_wait3A_99 = tpu.memref_slice %arg3[%add3A_15, %dma_wait3A_98] : memref<2560x128xi32, #tpu.memory_space<hbm>> -> memref<40x128xi32, #tpu.memory_space<hbm>>
      %dma_wait3A_100 = arith.constant 0 : i32
      %dma_wait3A_101 = tpu.memref_slice %arg3[%add3A_15, %dma_wait3A_100] : memref<2560x128xi32, #tpu.memory_space<hbm>> -> memref<40x128xi32, #tpu.memory_space<hbm>>
      tpu.wait_dma2 semaphore(%run_scoped3A_93 : memref<!tpu.dma_semaphore, #tpu.memory_space<semaphore_mem>>) src(%dma_wait3A_101 : memref<40x128xi32, #tpu.memory_space<hbm>>) dst(%arg6 : memref<40x128xi32, #tpu.memory_space<vmem>>)
      tpu.yield
    }) : () -> ()
    "tpu.region"() ({
      %run_scoped3A_93 = tpu.sem_alloc : memref<!tpu.dma_semaphore, #tpu.memory_space<semaphore_mem>>
      %dma_start3A_94 = arith.constant 0 : i32
      %dma_start3A_95 = tpu.memref_slice %arg4[%add3A_15, %dma_start3A_94] : memref<2560x128xi32, #tpu.memory_space<hbm>> -> memref<40x128xi32, #tpu.memory_space<hbm>>
      %dma_start3A_96 = arith.constant 0 : i32
      %dma_start3A_97 = tpu.memref_slice %arg4[%add3A_15, %dma_start3A_96] : memref<2560x128xi32, #tpu.memory_space<hbm>> -> memref<40x128xi32, #tpu.memory_space<hbm>>
      tpu.enqueue_dma source(%dma_start3A_97 : memref<40x128xi32, #tpu.memory_space<hbm>>) target(%arg7 : memref<40x128xi32, #tpu.memory_space<vmem>>) target_semaphore(%run_scoped3A_93 : memref<!tpu.dma_semaphore, #tpu.memory_space<semaphore_mem>>)
      %dma_wait3A_98 = arith.constant 0 : i32
      %dma_wait3A_99 = tpu.memref_slice %arg4[%add3A_15, %dma_wait3A_98] : memref<2560x128xi32, #tpu.memory_space<hbm>> -> memref<40x128xi32, #tpu.memory_space<hbm>>
      %dma_wait3A_100 = arith.constant 0 : i32
      %dma_wait3A_101 = tpu.memref_slice %arg4[%add3A_15, %dma_wait3A_100] : memref<2560x128xi32, #tpu.memory_space<hbm>> -> memref<40x128xi32, #tpu.memory_space<hbm>>
      tpu.wait_dma2 semaphore(%run_scoped3A_93 : memref<!tpu.dma_semaphore, #tpu.memory_space<semaphore_mem>>) src(%dma_wait3A_101 : memref<40x128xi32, #tpu.memory_space<hbm>>) dst(%arg7 : memref<40x128xi32, #tpu.memory_space<vmem>>)
      tpu.yield
    }) : () -> ()
    %dma_start3A = arith.constant 0 : i32
    %dma_start3A_16 = arith.constant 0 : i32
    %dma_start3A_17 = tpu.memref_slice %arg6[%dma_start3A, %dma_start3A_16] : memref<40x128xi32, #tpu.memory_space<vmem>> -> memref<1x128xi32, #tpu.memory_space<vmem>>
    %dma_start3A_18 = tpu.memref_squeeze %dma_start3A_17 : memref<1x128xi32, #tpu.memory_space<vmem>> -> memref<128xi32, #tpu.memory_space<vmem>>
    %dma_start3A_19 = arith.constant 0 : i32
    %dma_start3A_20 = arith.constant 0 : i32
    %dma_start3A_21 = tpu.memref_slice %arg2[%dma_start3A_19, %dma_start3A_20] : memref<10240x128xf32, #tpu.memory_space<hbm>> -> memref<10240x128xf32, #tpu.memory_space<hbm>>
    tpu.enqueue_indirect_dma source(%dma_start3A_21 : memref<10240x128xf32, #tpu.memory_space<hbm>>) target(%arg8 : memref<128x128xf32, #tpu.memory_space<vmem>>) offsets(%dma_start3A_18 : memref<128xi32, #tpu.memory_space<vmem>>) semaphore(%arg12 : memref<!tpu.dma_semaphore, #tpu.memory_space<semaphore_mem>>)
    %dma_start3A_22 = arith.constant 1 : i32
    %dma_start3A_23 = arith.constant 0 : i32
    %dma_start3A_24 = tpu.memref_slice %arg6[%dma_start3A_22, %dma_start3A_23] : memref<40x128xi32, #tpu.memory_space<vmem>> -> memref<1x128xi32, #tpu.memory_space<vmem>>
    %dma_start3A_25 = tpu.memref_squeeze %dma_start3A_24 : memref<1x128xi32, #tpu.memory_space<vmem>> -> memref<128xi32, #tpu.memory_space<vmem>>
    %dma_start3A_26 = arith.constant 0 : i32
    %dma_start3A_27 = arith.constant 0 : i32
    %dma_start3A_28 = tpu.memref_slice %arg2[%dma_start3A_26, %dma_start3A_27] : memref<10240x128xf32, #tpu.memory_space<hbm>> -> memref<10240x128xf32, #tpu.memory_space<hbm>>
    tpu.enqueue_indirect_dma source(%dma_start3A_28 : memref<10240x128xf32, #tpu.memory_space<hbm>>) target(%arg9 : memref<128x128xf32, #tpu.memory_space<vmem>>) offsets(%dma_start3A_25 : memref<128xi32, #tpu.memory_space<vmem>>) semaphore(%arg13 : memref<!tpu.dma_semaphore, #tpu.memory_space<semaphore_mem>>)
    %scan3A_29 = arith.constant 0 : i32
    %scan3A_30 = arith.constant 0 : i32
    %scan3A_31 = arith.constant 19 : i32
    %scan3A_32 = arith.addi %scan3A_30, %scan3A_31 : i32
    %scan3A_33 = arith.constant 1 : i32
    scf.for %scan3A_93 = %scan3A_30 to %scan3A_32 step %scan3A_33  : i32 {
      %mul3A_94 = arith.constant 2 : i32
      %mul3A_95 = arith.muli %scan3A_93, %mul3A_94 : i32
      %add3A_96 = arith.constant 0 : i32
      %add3A_97 = arith.addi %mul3A_95, %add3A_96 : i32
      %dma_wait3A_98 = arith.constant 0 : i32
      %dma_wait3A_99 = tpu.memref_slice %arg6[%add3A_97, %dma_wait3A_98] : memref<40x128xi32, #tpu.memory_space<vmem>> -> memref<1x128xi32, #tpu.memory_space<vmem>>
      %dma_wait3A_100 = tpu.memref_squeeze %dma_wait3A_99 : memref<1x128xi32, #tpu.memory_space<vmem>> -> memref<128xi32, #tpu.memory_space<vmem>>
      %dma_wait3A_101 = arith.constant 0 : i32
      %dma_wait3A_102 = arith.constant 0 : i32
      %dma_wait3A_103 = tpu.memref_slice %arg2[%dma_wait3A_101, %dma_wait3A_102] : memref<10240x128xf32, #tpu.memory_space<hbm>> -> memref<10240x128xf32, #tpu.memory_space<hbm>>
      tpu.wait_indirect_dma semaphore(%arg12 : memref<!tpu.dma_semaphore, #tpu.memory_space<semaphore_mem>>) src(%dma_wait3A_103 : memref<10240x128xf32, #tpu.memory_space<hbm>>) dst(%arg8 : memref<128x128xf32, #tpu.memory_space<vmem>>)
      "tpu.region"() ({
        %run_scoped3A_130 = tpu.sem_alloc : memref<!tpu.dma_semaphore, #tpu.memory_space<semaphore_mem>>
        %dma_start3A_131 = arith.constant 0 : i32
        %dma_start3A_132 = tpu.memref_slice %arg7[%add3A_97, %dma_start3A_131] : memref<40x128xi32, #tpu.memory_space<vmem>> -> memref<1x128xi32, #tpu.memory_space<vmem>>
        %dma_start3A_133 = tpu.memref_squeeze %dma_start3A_132 : memref<1x128xi32, #tpu.memory_space<vmem>> -> memref<128xi32, #tpu.memory_space<vmem>>
        %dma_start3A_134 = arith.constant 0 : i32
        %dma_start3A_135 = arith.constant 0 : i32
        %dma_start3A_136 = tpu.memref_slice %arg11[%dma_start3A_134, %dma_start3A_135] : memref<10240x128xf32, #tpu.memory_space<vmem_shared>> -> memref<10240x128xf32, #tpu.memory_space<vmem_shared>>
        tpu.enqueue_indirect_dma source(%arg8 : memref<128x128xf32, #tpu.memory_space<vmem>>) target(%dma_start3A_136 : memref<10240x128xf32, #tpu.memory_space<vmem_shared>>) offsets(%dma_start3A_133 : memref<128xi32, #tpu.memory_space<vmem>>) semaphore(%run_scoped3A_130 : memref<!tpu.dma_semaphore, #tpu.memory_space<semaphore_mem>>) {add = true}
        %dma_wait3A_137 = arith.constant 0 : i32
        %dma_wait3A_138 = tpu.memref_slice %arg7[%add3A_97, %dma_wait3A_137] : memref<40x128xi32, #tpu.memory_space<vmem>> -> memref<1x128xi32, #tpu.memory_space<vmem>>
        %dma_wait3A_139 = tpu.memref_squeeze %dma_wait3A_138 : memref<1x128xi32, #tpu.memory_space<vmem>> -> memref<128xi32, #tpu.memory_space<vmem>>
        %dma_wait3A_140 = arith.constant 0 : i32
        %dma_wait3A_141 = arith.constant 0 : i32
        %dma_wait3A_142 = tpu.memref_slice %arg11[%dma_wait3A_140, %dma_wait3A_141] : memref<10240x128xf32, #tpu.memory_space<vmem_shared>> -> memref<10240x128xf32, #tpu.memory_space<vmem_shared>>
        tpu.wait_indirect_dma semaphore(%run_scoped3A_130 : memref<!tpu.dma_semaphore, #tpu.memory_space<semaphore_mem>>) src(%arg8 : memref<128x128xf32, #tpu.memory_space<vmem>>) dst(%dma_wait3A_142 : memref<10240x128xf32, #tpu.memory_space<vmem_shared>>)
        tpu.yield
      }) : () -> ()
      %add3A_104 = arith.constant 2 : i32
      %add3A_105 = arith.addi %add3A_97, %add3A_104 : i32
      %dma_start3A_106 = arith.constant 0 : i32
      %dma_start3A_107 = tpu.memref_slice %arg6[%add3A_105, %dma_start3A_106] : memref<40x128xi32, #tpu.memory_space<vmem>> -> memref<1x128xi32, #tpu.memory_space<vmem>>
      %dma_start3A_108 = tpu.memref_squeeze %dma_start3A_107 : memref<1x128xi32, #tpu.memory_space<vmem>> -> memref<128xi32, #tpu.memory_space<vmem>>
      %dma_start3A_109 = arith.constant 0 : i32
      %dma_start3A_110 = arith.constant 0 : i32
      %dma_start3A_111 = tpu.memref_slice %arg2[%dma_start3A_109, %dma_start3A_110] : memref<10240x128xf32, #tpu.memory_space<hbm>> -> memref<10240x128xf32, #tpu.memory_space<hbm>>
      tpu.enqueue_indirect_dma source(%dma_start3A_111 : memref<10240x128xf32, #tpu.memory_space<hbm>>) target(%arg8 : memref<128x128xf32, #tpu.memory_space<vmem>>) offsets(%dma_start3A_108 : memref<128xi32, #tpu.memory_space<vmem>>) semaphore(%arg12 : memref<!tpu.dma_semaphore, #tpu.memory_space<semaphore_mem>>)
      %mul3A_112 = arith.constant 2 : i32
      %mul3A_113 = arith.muli %scan3A_93, %mul3A_112 : i32
      %add3A_114 = arith.constant 1 : i32
      %add3A_115 = arith.addi %mul3A_113, %add3A_114 : i32
      %dma_wait3A_116 = arith.constant 0 : i32
      %dma_wait3A_117 = tpu.memref_slice %arg6[%add3A_115, %dma_wait3A_116] : memref<40x128xi32, #tpu.memory_space<vmem>> -> memref<1x128xi32, #tpu.memory_space<vmem>>
      %dma_wait3A_118 = tpu.memref_squeeze %dma_wait3A_117 : memref<1x128xi32, #tpu.memory_space<vmem>> -> memref<128xi32, #tpu.memory_space<vmem>>
      %dma_wait3A_119 = arith.constant 0 : i32
      %dma_wait3A_120 = arith.constant 0 : i32
      %dma_wait3A_121 = tpu.memref_slice %arg2[%dma_wait3A_119, %dma_wait3A_120] : memref<10240x128xf32, #tpu.memory_space<hbm>> -> memref<10240x128xf32, #tpu.memory_space<hbm>>
      tpu.wait_indirect_dma semaphore(%arg13 : memref<!tpu.dma_semaphore, #tpu.memory_space<semaphore_mem>>) src(%dma_wait3A_121 : memref<10240x128xf32, #tpu.memory_space<hbm>>) dst(%arg9 : memref<128x128xf32, #tpu.memory_space<vmem>>)
      "tpu.region"() ({
        %run_scoped3A_130 = tpu.sem_alloc : memref<!tpu.dma_semaphore, #tpu.memory_space<semaphore_mem>>
        %dma_start3A_131 = arith.constant 0 : i32
        %dma_start3A_132 = tpu.memref_slice %arg7[%add3A_115, %dma_start3A_131] : memref<40x128xi32, #tpu.memory_space<vmem>> -> memref<1x128xi32, #tpu.memory_space<vmem>>
        %dma_start3A_133 = tpu.memref_squeeze %dma_start3A_132 : memref<1x128xi32, #tpu.memory_space<vmem>> -> memref<128xi32, #tpu.memory_space<vmem>>
        %dma_start3A_134 = arith.constant 0 : i32
        %dma_start3A_135 = arith.constant 0 : i32
        %dma_start3A_136 = tpu.memref_slice %arg11[%dma_start3A_134, %dma_start3A_135] : memref<10240x128xf32, #tpu.memory_space<vmem_shared>> -> memref<10240x128xf32, #tpu.memory_space<vmem_shared>>
        tpu.enqueue_indirect_dma source(%arg9 : memref<128x128xf32, #tpu.memory_space<vmem>>) target(%dma_start3A_136 : memref<10240x128xf32, #tpu.memory_space<vmem_shared>>) offsets(%dma_start3A_133 : memref<128xi32, #tpu.memory_space<vmem>>) semaphore(%run_scoped3A_130 : memref<!tpu.dma_semaphore, #tpu.memory_space<semaphore_mem>>) {add = true}
        %dma_wait3A_137 = arith.constant 0 : i32
        %dma_wait3A_138 = tpu.memref_slice %arg7[%add3A_115, %dma_wait3A_137] : memref<40x128xi32, #tpu.memory_space<vmem>> -> memref<1x128xi32, #tpu.memory_space<vmem>>
        %dma_wait3A_139 = tpu.memref_squeeze %dma_wait3A_138 : memref<1x128xi32, #tpu.memory_space<vmem>> -> memref<128xi32, #tpu.memory_space<vmem>>
        %dma_wait3A_140 = arith.constant 0 : i32
        %dma_wait3A_141 = arith.constant 0 : i32
        %dma_wait3A_142 = tpu.memref_slice %arg11[%dma_wait3A_140, %dma_wait3A_141] : memref<10240x128xf32, #tpu.memory_space<vmem_shared>> -> memref<10240x128xf32, #tpu.memory_space<vmem_shared>>
        tpu.wait_indirect_dma semaphore(%run_scoped3A_130 : memref<!tpu.dma_semaphore, #tpu.memory_space<semaphore_mem>>) src(%arg9 : memref<128x128xf32, #tpu.memory_space<vmem>>) dst(%dma_wait3A_142 : memref<10240x128xf32, #tpu.memory_space<vmem_shared>>)
        tpu.yield
      }) : () -> ()
      %add3A_122 = arith.constant 2 : i32
      %add3A_123 = arith.addi %add3A_115, %add3A_122 : i32
      %dma_start3A_124 = arith.constant 0 : i32
      %dma_start3A_125 = tpu.memref_slice %arg6[%add3A_123, %dma_start3A_124] : memref<40x128xi32, #tpu.memory_space<vmem>> -> memref<1x128xi32, #tpu.memory_space<vmem>>
      %dma_start3A_126 = tpu.memref_squeeze %dma_start3A_125 : memref<1x128xi32, #tpu.memory_space<vmem>> -> memref<128xi32, #tpu.memory_space<vmem>>
      %dma_start3A_127 = arith.constant 0 : i32
      %dma_start3A_128 = arith.constant 0 : i32
      %dma_start3A_129 = tpu.memref_slice %arg2[%dma_start3A_127, %dma_start3A_128] : memref<10240x128xf32, #tpu.memory_space<hbm>> -> memref<10240x128xf32, #tpu.memory_space<hbm>>
      tpu.enqueue_indirect_dma source(%dma_start3A_129 : memref<10240x128xf32, #tpu.memory_space<hbm>>) target(%arg9 : memref<128x128xf32, #tpu.memory_space<vmem>>) offsets(%dma_start3A_126 : memref<128xi32, #tpu.memory_space<vmem>>) semaphore(%arg13 : memref<!tpu.dma_semaphore, #tpu.memory_space<semaphore_mem>>)
    }
    %scan3A_34 = arith.constant 19 : i32
    %dma_wait3A = arith.constant 38 : i32
    %dma_wait3A_35 = arith.constant 0 : i32
    %dma_wait3A_36 = tpu.memref_slice %arg6[%dma_wait3A, %dma_wait3A_35] : memref<40x128xi32, #tpu.memory_space<vmem>> -> memref<1x128xi32, #tpu.memory_space<vmem>>
    %dma_wait3A_37 = tpu.memref_squeeze %dma_wait3A_36 : memref<1x128xi32, #tpu.memory_space<vmem>> -> memref<128xi32, #tpu.memory_space<vmem>>
    %dma_wait3A_38 = arith.constant 0 : i32
    %dma_wait3A_39 = arith.constant 0 : i32
    %dma_wait3A_40 = tpu.memref_slice %arg2[%dma_wait3A_38, %dma_wait3A_39] : memref<10240x128xf32, #tpu.memory_space<hbm>> -> memref<10240x128xf32, #tpu.memory_space<hbm>>
    tpu.wait_indirect_dma semaphore(%arg12 : memref<!tpu.dma_semaphore, #tpu.memory_space<semaphore_mem>>) src(%dma_wait3A_40 : memref<10240x128xf32, #tpu.memory_space<hbm>>) dst(%arg8 : memref<128x128xf32, #tpu.memory_space<vmem>>)
    %run_scoped3A = arith.constant 38 : i32
    "tpu.region"() ({
      %run_scoped3A_93 = tpu.sem_alloc : memref<!tpu.dma_semaphore, #tpu.memory_space<semaphore_mem>>
      %dma_start3A_94 = arith.constant 0 : i32
      %dma_start3A_95 = tpu.memref_slice %arg7[%run_scoped3A, %dma_start3A_94] : memref<40x128xi32, #tpu.memory_space<vmem>> -> memref<1x128xi32, #tpu.memory_space<vmem>>
      %dma_start3A_96 = tpu.memref_squeeze %dma_start3A_95 : memref<1x128xi32, #tpu.memory_space<vmem>> -> memref<128xi32, #tpu.memory_space<vmem>>
      %dma_start3A_97 = arith.constant 0 : i32
      %dma_start3A_98 = arith.constant 0 : i32
      %dma_start3A_99 = tpu.memref_slice %arg11[%dma_start3A_97, %dma_start3A_98] : memref<10240x128xf32, #tpu.memory_space<vmem_shared>> -> memref<10240x128xf32, #tpu.memory_space<vmem_shared>>
      tpu.enqueue_indirect_dma source(%arg8 : memref<128x128xf32, #tpu.memory_space<vmem>>) target(%dma_start3A_99 : memref<10240x128xf32, #tpu.memory_space<vmem_shared>>) offsets(%dma_start3A_96 : memref<128xi32, #tpu.memory_space<vmem>>) semaphore(%run_scoped3A_93 : memref<!tpu.dma_semaphore, #tpu.memory_space<semaphore_mem>>) {add = true}
      %dma_wait3A_100 = arith.constant 0 : i32
      %dma_wait3A_101 = tpu.memref_slice %arg7[%run_scoped3A, %dma_wait3A_100] : memref<40x128xi32, #tpu.memory_space<vmem>> -> memref<1x128xi32, #tpu.memory_space<vmem>>
      %dma_wait3A_102 = tpu.memref_squeeze %dma_wait3A_101 : memref<1x128xi32, #tpu.memory_space<vmem>> -> memref<128xi32, #tpu.memory_space<vmem>>
      %dma_wait3A_103 = arith.constant 0 : i32
      %dma_wait3A_104 = arith.constant 0 : i32
      %dma_wait3A_105 = tpu.memref_slice %arg11[%dma_wait3A_103, %dma_wait3A_104] : memref<10240x128xf32, #tpu.memory_space<vmem_shared>> -> memref<10240x128xf32, #tpu.memory_space<vmem_shared>>
      tpu.wait_indirect_dma semaphore(%run_scoped3A_93 : memref<!tpu.dma_semaphore, #tpu.memory_space<semaphore_mem>>) src(%arg8 : memref<128x128xf32, #tpu.memory_space<vmem>>) dst(%dma_wait3A_105 : memref<10240x128xf32, #tpu.memory_space<vmem_shared>>)
      tpu.yield
    }) : () -> ()
    %dma_wait3A_41 = arith.constant 39 : i32
    %dma_wait3A_42 = arith.constant 0 : i32
    %dma_wait3A_43 = tpu.memref_slice %arg6[%dma_wait3A_41, %dma_wait3A_42] : memref<40x128xi32, #tpu.memory_space<vmem>> -> memref<1x128xi32, #tpu.memory_space<vmem>>
    %dma_wait3A_44 = tpu.memref_squeeze %dma_wait3A_43 : memref<1x128xi32, #tpu.memory_space<vmem>> -> memref<128xi32, #tpu.memory_space<vmem>>
    %dma_wait3A_45 = arith.constant 0 : i32
    %dma_wait3A_46 = arith.constant 0 : i32
    %dma_wait3A_47 = tpu.memref_slice %arg2[%dma_wait3A_45, %dma_wait3A_46] : memref<10240x128xf32, #tpu.memory_space<hbm>> -> memref<10240x128xf32, #tpu.memory_space<hbm>>
    tpu.wait_indirect_dma semaphore(%arg13 : memref<!tpu.dma_semaphore, #tpu.memory_space<semaphore_mem>>) src(%dma_wait3A_47 : memref<10240x128xf32, #tpu.memory_space<hbm>>) dst(%arg9 : memref<128x128xf32, #tpu.memory_space<vmem>>)
    %run_scoped3A_48 = arith.constant 39 : i32
    "tpu.region"() ({
      %run_scoped3A_93 = tpu.sem_alloc : memref<!tpu.dma_semaphore, #tpu.memory_space<semaphore_mem>>
      %dma_start3A_94 = arith.constant 0 : i32
      %dma_start3A_95 = tpu.memref_slice %arg7[%run_scoped3A_48, %dma_start3A_94] : memref<40x128xi32, #tpu.memory_space<vmem>> -> memref<1x128xi32, #tpu.memory_space<vmem>>
      %dma_start3A_96 = tpu.memref_squeeze %dma_start3A_95 : memref<1x128xi32, #tpu.memory_space<vmem>> -> memref<128xi32, #tpu.memory_space<vmem>>
      %dma_start3A_97 = arith.constant 0 : i32
      %dma_start3A_98 = arith.constant 0 : i32
      %dma_start3A_99 = tpu.memref_slice %arg11[%dma_start3A_97, %dma_start3A_98] : memref<10240x128xf32, #tpu.memory_space<vmem_shared>> -> memref<10240x128xf32, #tpu.memory_space<vmem_shared>>
      tpu.enqueue_indirect_dma source(%arg9 : memref<128x128xf32, #tpu.memory_space<vmem>>) target(%dma_start3A_99 : memref<10240x128xf32, #tpu.memory_space<vmem_shared>>) offsets(%dma_start3A_96 : memref<128xi32, #tpu.memory_space<vmem>>) semaphore(%run_scoped3A_93 : memref<!tpu.dma_semaphore, #tpu.memory_space<semaphore_mem>>) {add = true}
      %dma_wait3A_100 = arith.constant 0 : i32
      %dma_wait3A_101 = tpu.memref_slice %arg7[%run_scoped3A_48, %dma_wait3A_100] : memref<40x128xi32, #tpu.memory_space<vmem>> -> memref<1x128xi32, #tpu.memory_space<vmem>>
      %dma_wait3A_102 = tpu.memref_squeeze %dma_wait3A_101 : memref<1x128xi32, #tpu.memory_space<vmem>> -> memref<128xi32, #tpu.memory_space<vmem>>
      %dma_wait3A_103 = arith.constant 0 : i32
      %dma_wait3A_104 = arith.constant 0 : i32
      %dma_wait3A_105 = tpu.memref_slice %arg11[%dma_wait3A_103, %dma_wait3A_104] : memref<10240x128xf32, #tpu.memory_space<vmem_shared>> -> memref<10240x128xf32, #tpu.memory_space<vmem_shared>>
      tpu.wait_indirect_dma semaphore(%run_scoped3A_93 : memref<!tpu.dma_semaphore, #tpu.memory_space<semaphore_mem>>) src(%arg9 : memref<128x128xf32, #tpu.memory_space<vmem>>) dst(%dma_wait3A_105 : memref<10240x128xf32, #tpu.memory_space<vmem_shared>>)
      tpu.yield
    }) : () -> ()
    %add3A_49 = arith.constant 40 : i32
    %add3A_50 = arith.addi %mul3A_2, %add3A_49 : i32
    "tpu.region"() ({
      %run_scoped3A_93 = tpu.sem_alloc : memref<!tpu.dma_semaphore, #tpu.memory_space<semaphore_mem>>
      %dma_start3A_94 = arith.constant 0 : i32
      %dma_start3A_95 = tpu.memref_slice %arg3[%add3A_50, %dma_start3A_94] : memref<2560x128xi32, #tpu.memory_space<hbm>> -> memref<40x128xi32, #tpu.memory_space<hbm>>
      %dma_start3A_96 = arith.constant 0 : i32
      %dma_start3A_97 = tpu.memref_slice %arg3[%add3A_50, %dma_start3A_96] : memref<2560x128xi32, #tpu.memory_space<hbm>> -> memref<40x128xi32, #tpu.memory_space<hbm>>
      tpu.enqueue_dma source(%dma_start3A_97 : memref<40x128xi32, #tpu.memory_space<hbm>>) target(%arg6 : memref<40x128xi32, #tpu.memory_space<vmem>>) target_semaphore(%run_scoped3A_93 : memref<!tpu.dma_semaphore, #tpu.memory_space<semaphore_mem>>)
      %dma_wait3A_98 = arith.constant 0 : i32
      %dma_wait3A_99 = tpu.memref_slice %arg3[%add3A_50, %dma_wait3A_98] : memref<2560x128xi32, #tpu.memory_space<hbm>> -> memref<40x128xi32, #tpu.memory_space<hbm>>
      %dma_wait3A_100 = arith.constant 0 : i32
      %dma_wait3A_101 = tpu.memref_slice %arg3[%add3A_50, %dma_wait3A_100] : memref<2560x128xi32, #tpu.memory_space<hbm>> -> memref<40x128xi32, #tpu.memory_space<hbm>>
      tpu.wait_dma2 semaphore(%run_scoped3A_93 : memref<!tpu.dma_semaphore, #tpu.memory_space<semaphore_mem>>) src(%dma_wait3A_101 : memref<40x128xi32, #tpu.memory_space<hbm>>) dst(%arg6 : memref<40x128xi32, #tpu.memory_space<vmem>>)
      tpu.yield
    }) : () -> ()
    "tpu.region"() ({
      %run_scoped3A_93 = tpu.sem_alloc : memref<!tpu.dma_semaphore, #tpu.memory_space<semaphore_mem>>
      %dma_start3A_94 = arith.constant 0 : i32
      %dma_start3A_95 = tpu.memref_slice %arg4[%add3A_50, %dma_start3A_94] : memref<2560x128xi32, #tpu.memory_space<hbm>> -> memref<40x128xi32, #tpu.memory_space<hbm>>
      %dma_start3A_96 = arith.constant 0 : i32
      %dma_start3A_97 = tpu.memref_slice %arg4[%add3A_50, %dma_start3A_96] : memref<2560x128xi32, #tpu.memory_space<hbm>> -> memref<40x128xi32, #tpu.memory_space<hbm>>
      tpu.enqueue_dma source(%dma_start3A_97 : memref<40x128xi32, #tpu.memory_space<hbm>>) target(%arg7 : memref<40x128xi32, #tpu.memory_space<vmem>>) target_semaphore(%run_scoped3A_93 : memref<!tpu.dma_semaphore, #tpu.memory_space<semaphore_mem>>)
      %dma_wait3A_98 = arith.constant 0 : i32
      %dma_wait3A_99 = tpu.memref_slice %arg4[%add3A_50, %dma_wait3A_98] : memref<2560x128xi32, #tpu.memory_space<hbm>> -> memref<40x128xi32, #tpu.memory_space<hbm>>
      %dma_wait3A_100 = arith.constant 0 : i32
      %dma_wait3A_101 = tpu.memref_slice %arg4[%add3A_50, %dma_wait3A_100] : memref<2560x128xi32, #tpu.memory_space<hbm>> -> memref<40x128xi32, #tpu.memory_space<hbm>>
      tpu.wait_dma2 semaphore(%run_scoped3A_93 : memref<!tpu.dma_semaphore, #tpu.memory_space<semaphore_mem>>) src(%dma_wait3A_101 : memref<40x128xi32, #tpu.memory_space<hbm>>) dst(%arg7 : memref<40x128xi32, #tpu.memory_space<vmem>>)
      tpu.yield
    }) : () -> ()
    %dma_start3A_51 = arith.constant 0 : i32
    %dma_start3A_52 = arith.constant 0 : i32
    %dma_start3A_53 = tpu.memref_slice %arg6[%dma_start3A_51, %dma_start3A_52] : memref<40x128xi32, #tpu.memory_space<vmem>> -> memref<1x128xi32, #tpu.memory_space<vmem>>
    %dma_start3A_54 = tpu.memref_squeeze %dma_start3A_53 : memref<1x128xi32, #tpu.memory_space<vmem>> -> memref<128xi32, #tpu.memory_space<vmem>>
    %dma_start3A_55 = arith.constant 0 : i32
    %dma_start3A_56 = arith.constant 0 : i32
    %dma_start3A_57 = tpu.memref_slice %arg2[%dma_start3A_55, %dma_start3A_56] : memref<10240x128xf32, #tpu.memory_space<hbm>> -> memref<10240x128xf32, #tpu.memory_space<hbm>>
    tpu.enqueue_indirect_dma source(%dma_start3A_57 : memref<10240x128xf32, #tpu.memory_space<hbm>>) target(%arg8 : memref<128x128xf32, #tpu.memory_space<vmem>>) offsets(%dma_start3A_54 : memref<128xi32, #tpu.memory_space<vmem>>) semaphore(%arg12 : memref<!tpu.dma_semaphore, #tpu.memory_space<semaphore_mem>>)
    %dma_start3A_58 = arith.constant 1 : i32
    %dma_start3A_59 = arith.constant 0 : i32
    %dma_start3A_60 = tpu.memref_slice %arg6[%dma_start3A_58, %dma_start3A_59] : memref<40x128xi32, #tpu.memory_space<vmem>> -> memref<1x128xi32, #tpu.memory_space<vmem>>
    %dma_start3A_61 = tpu.memref_squeeze %dma_start3A_60 : memref<1x128xi32, #tpu.memory_space<vmem>> -> memref<128xi32, #tpu.memory_space<vmem>>
    %dma_start3A_62 = arith.constant 0 : i32
    %dma_start3A_63 = arith.constant 0 : i32
    %dma_start3A_64 = tpu.memref_slice %arg2[%dma_start3A_62, %dma_start3A_63] : memref<10240x128xf32, #tpu.memory_space<hbm>> -> memref<10240x128xf32, #tpu.memory_space<hbm>>
    tpu.enqueue_indirect_dma source(%dma_start3A_64 : memref<10240x128xf32, #tpu.memory_space<hbm>>) target(%arg9 : memref<128x128xf32, #tpu.memory_space<vmem>>) offsets(%dma_start3A_61 : memref<128xi32, #tpu.memory_space<vmem>>) semaphore(%arg13 : memref<!tpu.dma_semaphore, #tpu.memory_space<semaphore_mem>>)
    %scan3A_65 = arith.constant 0 : i32
    %scan3A_66 = arith.constant 0 : i32
    %scan3A_67 = arith.constant 19 : i32
    %scan3A_68 = arith.addi %scan3A_66, %scan3A_67 : i32
    %scan3A_69 = arith.constant 1 : i32
    scf.for %scan3A_93 = %scan3A_66 to %scan3A_68 step %scan3A_69  : i32 {
      %mul3A_94 = arith.constant 2 : i32
      %mul3A_95 = arith.muli %scan3A_93, %mul3A_94 : i32
      %add3A_96 = arith.constant 0 : i32
      %add3A_97 = arith.addi %mul3A_95, %add3A_96 : i32
      %dma_wait3A_98 = arith.constant 0 : i32
      %dma_wait3A_99 = tpu.memref_slice %arg6[%add3A_97, %dma_wait3A_98] : memref<40x128xi32, #tpu.memory_space<vmem>> -> memref<1x128xi32, #tpu.memory_space<vmem>>
      %dma_wait3A_100 = tpu.memref_squeeze %dma_wait3A_99 : memref<1x128xi32, #tpu.memory_space<vmem>> -> memref<128xi32, #tpu.memory_space<vmem>>
      %dma_wait3A_101 = arith.constant 0 : i32
      %dma_wait3A_102 = arith.constant 0 : i32
      %dma_wait3A_103 = tpu.memref_slice %arg2[%dma_wait3A_101, %dma_wait3A_102] : memref<10240x128xf32, #tpu.memory_space<hbm>> -> memref<10240x128xf32, #tpu.memory_space<hbm>>
      tpu.wait_indirect_dma semaphore(%arg12 : memref<!tpu.dma_semaphore, #tpu.memory_space<semaphore_mem>>) src(%dma_wait3A_103 : memref<10240x128xf32, #tpu.memory_space<hbm>>) dst(%arg8 : memref<128x128xf32, #tpu.memory_space<vmem>>)
      "tpu.region"() ({
        %run_scoped3A_130 = tpu.sem_alloc : memref<!tpu.dma_semaphore, #tpu.memory_space<semaphore_mem>>
        %dma_start3A_131 = arith.constant 0 : i32
        %dma_start3A_132 = tpu.memref_slice %arg7[%add3A_97, %dma_start3A_131] : memref<40x128xi32, #tpu.memory_space<vmem>> -> memref<1x128xi32, #tpu.memory_space<vmem>>
        %dma_start3A_133 = tpu.memref_squeeze %dma_start3A_132 : memref<1x128xi32, #tpu.memory_space<vmem>> -> memref<128xi32, #tpu.memory_space<vmem>>
        %dma_start3A_134 = arith.constant 0 : i32
        %dma_start3A_135 = arith.constant 0 : i32
        %dma_start3A_136 = tpu.memref_slice %arg11[%dma_start3A_134, %dma_start3A_135] : memref<10240x128xf32, #tpu.memory_space<vmem_shared>> -> memref<10240x128xf32, #tpu.memory_space<vmem_shared>>
        tpu.enqueue_indirect_dma source(%arg8 : memref<128x128xf32, #tpu.memory_space<vmem>>) target(%dma_start3A_136 : memref<10240x128xf32, #tpu.memory_space<vmem_shared>>) offsets(%dma_start3A_133 : memref<128xi32, #tpu.memory_space<vmem>>) semaphore(%run_scoped3A_130 : memref<!tpu.dma_semaphore, #tpu.memory_space<semaphore_mem>>) {add = true}
        %dma_wait3A_137 = arith.constant 0 : i32
        %dma_wait3A_138 = tpu.memref_slice %arg7[%add3A_97, %dma_wait3A_137] : memref<40x128xi32, #tpu.memory_space<vmem>> -> memref<1x128xi32, #tpu.memory_space<vmem>>
        %dma_wait3A_139 = tpu.memref_squeeze %dma_wait3A_138 : memref<1x128xi32, #tpu.memory_space<vmem>> -> memref<128xi32, #tpu.memory_space<vmem>>
        %dma_wait3A_140 = arith.constant 0 : i32
        %dma_wait3A_141 = arith.constant 0 : i32
        %dma_wait3A_142 = tpu.memref_slice %arg11[%dma_wait3A_140, %dma_wait3A_141] : memref<10240x128xf32, #tpu.memory_space<vmem_shared>> -> memref<10240x128xf32, #tpu.memory_space<vmem_shared>>
        tpu.wait_indirect_dma semaphore(%run_scoped3A_130 : memref<!tpu.dma_semaphore, #tpu.memory_space<semaphore_mem>>) src(%arg8 : memref<128x128xf32, #tpu.memory_space<vmem>>) dst(%dma_wait3A_142 : memref<10240x128xf32, #tpu.memory_space<vmem_shared>>)
        tpu.yield
      }) : () -> ()
      %add3A_104 = arith.constant 2 : i32
      %add3A_105 = arith.addi %add3A_97, %add3A_104 : i32
      %dma_start3A_106 = arith.constant 0 : i32
      %dma_start3A_107 = tpu.memref_slice %arg6[%add3A_105, %dma_start3A_106] : memref<40x128xi32, #tpu.memory_space<vmem>> -> memref<1x128xi32, #tpu.memory_space<vmem>>
      %dma_start3A_108 = tpu.memref_squeeze %dma_start3A_107 : memref<1x128xi32, #tpu.memory_space<vmem>> -> memref<128xi32, #tpu.memory_space<vmem>>
      %dma_start3A_109 = arith.constant 0 : i32
      %dma_start3A_110 = arith.constant 0 : i32
      %dma_start3A_111 = tpu.memref_slice %arg2[%dma_start3A_109, %dma_start3A_110] : memref<10240x128xf32, #tpu.memory_space<hbm>> -> memref<10240x128xf32, #tpu.memory_space<hbm>>
      tpu.enqueue_indirect_dma source(%dma_start3A_111 : memref<10240x128xf32, #tpu.memory_space<hbm>>) target(%arg8 : memref<128x128xf32, #tpu.memory_space<vmem>>) offsets(%dma_start3A_108 : memref<128xi32, #tpu.memory_space<vmem>>) semaphore(%arg12 : memref<!tpu.dma_semaphore, #tpu.memory_space<semaphore_mem>>)
      %mul3A_112 = arith.constant 2 : i32
      %mul3A_113 = arith.muli %scan3A_93, %mul3A_112 : i32
      %add3A_114 = arith.constant 1 : i32
      %add3A_115 = arith.addi %mul3A_113, %add3A_114 : i32
      %dma_wait3A_116 = arith.constant 0 : i32
      %dma_wait3A_117 = tpu.memref_slice %arg6[%add3A_115, %dma_wait3A_116] : memref<40x128xi32, #tpu.memory_space<vmem>> -> memref<1x128xi32, #tpu.memory_space<vmem>>
      %dma_wait3A_118 = tpu.memref_squeeze %dma_wait3A_117 : memref<1x128xi32, #tpu.memory_space<vmem>> -> memref<128xi32, #tpu.memory_space<vmem>>
      %dma_wait3A_119 = arith.constant 0 : i32
      %dma_wait3A_120 = arith.constant 0 : i32
      %dma_wait3A_121 = tpu.memref_slice %arg2[%dma_wait3A_119, %dma_wait3A_120] : memref<10240x128xf32, #tpu.memory_space<hbm>> -> memref<10240x128xf32, #tpu.memory_space<hbm>>
      tpu.wait_indirect_dma semaphore(%arg13 : memref<!tpu.dma_semaphore, #tpu.memory_space<semaphore_mem>>) src(%dma_wait3A_121 : memref<10240x128xf32, #tpu.memory_space<hbm>>) dst(%arg9 : memref<128x128xf32, #tpu.memory_space<vmem>>)
      "tpu.region"() ({
        %run_scoped3A_130 = tpu.sem_alloc : memref<!tpu.dma_semaphore, #tpu.memory_space<semaphore_mem>>
        %dma_start3A_131 = arith.constant 0 : i32
        %dma_start3A_132 = tpu.memref_slice %arg7[%add3A_115, %dma_start3A_131] : memref<40x128xi32, #tpu.memory_space<vmem>> -> memref<1x128xi32, #tpu.memory_space<vmem>>
        %dma_start3A_133 = tpu.memref_squeeze %dma_start3A_132 : memref<1x128xi32, #tpu.memory_space<vmem>> -> memref<128xi32, #tpu.memory_space<vmem>>
        %dma_start3A_134 = arith.constant 0 : i32
        %dma_start3A_135 = arith.constant 0 : i32
        %dma_start3A_136 = tpu.memref_slice %arg11[%dma_start3A_134, %dma_start3A_135] : memref<10240x128xf32, #tpu.memory_space<vmem_shared>> -> memref<10240x128xf32, #tpu.memory_space<vmem_shared>>
        tpu.enqueue_indirect_dma source(%arg9 : memref<128x128xf32, #tpu.memory_space<vmem>>) target(%dma_start3A_136 : memref<10240x128xf32, #tpu.memory_space<vmem_shared>>) offsets(%dma_start3A_133 : memref<128xi32, #tpu.memory_space<vmem>>) semaphore(%run_scoped3A_130 : memref<!tpu.dma_semaphore, #tpu.memory_space<semaphore_mem>>) {add = true}
        %dma_wait3A_137 = arith.constant 0 : i32
        %dma_wait3A_138 = tpu.memref_slice %arg7[%add3A_115, %dma_wait3A_137] : memref<40x128xi32, #tpu.memory_space<vmem>> -> memref<1x128xi32, #tpu.memory_space<vmem>>
        %dma_wait3A_139 = tpu.memref_squeeze %dma_wait3A_138 : memref<1x128xi32, #tpu.memory_space<vmem>> -> memref<128xi32, #tpu.memory_space<vmem>>
        %dma_wait3A_140 = arith.constant 0 : i32
        %dma_wait3A_141 = arith.constant 0 : i32
        %dma_wait3A_142 = tpu.memref_slice %arg11[%dma_wait3A_140, %dma_wait3A_141] : memref<10240x128xf32, #tpu.memory_space<vmem_shared>> -> memref<10240x128xf32, #tpu.memory_space<vmem_shared>>
        tpu.wait_indirect_dma semaphore(%run_scoped3A_130 : memref<!tpu.dma_semaphore, #tpu.memory_space<semaphore_mem>>) src(%arg9 : memref<128x128xf32, #tpu.memory_space<vmem>>) dst(%dma_wait3A_142 : memref<10240x128xf32, #tpu.memory_space<vmem_shared>>)
        tpu.yield
      }) : () -> ()
      %add3A_122 = arith.constant 2 : i32
      %add3A_123 = arith.addi %add3A_115, %add3A_122 : i32
      %dma_start3A_124 = arith.constant 0 : i32
      %dma_start3A_125 = tpu.memref_slice %arg6[%add3A_123, %dma_start3A_124] : memref<40x128xi32, #tpu.memory_space<vmem>> -> memref<1x128xi32, #tpu.memory_space<vmem>>
      %dma_start3A_126 = tpu.memref_squeeze %dma_start3A_125 : memref<1x128xi32, #tpu.memory_space<vmem>> -> memref<128xi32, #tpu.memory_space<vmem>>
      %dma_start3A_127 = arith.constant 0 : i32
      %dma_start3A_128 = arith.constant 0 : i32
      %dma_start3A_129 = tpu.memref_slice %arg2[%dma_start3A_127, %dma_start3A_128] : memref<10240x128xf32, #tpu.memory_space<hbm>> -> memref<10240x128xf32, #tpu.memory_space<hbm>>
      tpu.enqueue_indirect_dma source(%dma_start3A_129 : memref<10240x128xf32, #tpu.memory_space<hbm>>) target(%arg9 : memref<128x128xf32, #tpu.memory_space<vmem>>) offsets(%dma_start3A_126 : memref<128xi32, #tpu.memory_space<vmem>>) semaphore(%arg13 : memref<!tpu.dma_semaphore, #tpu.memory_space<semaphore_mem>>)
    }
    %scan3A_70 = arith.constant 19 : i32
    %dma_wait3A_71 = arith.constant 38 : i32
    %dma_wait3A_72 = arith.constant 0 : i32
    %dma_wait3A_73 = tpu.memref_slice %arg6[%dma_wait3A_71, %dma_wait3A_72] : memref<40x128xi32, #tpu.memory_space<vmem>> -> memref<1x128xi32, #tpu.memory_space<vmem>>
    %dma_wait3A_74 = tpu.memref_squeeze %dma_wait3A_73 : memref<1x128xi32, #tpu.memory_space<vmem>> -> memref<128xi32, #tpu.memory_space<vmem>>
    %dma_wait3A_75 = arith.constant 0 : i32
    %dma_wait3A_76 = arith.constant 0 : i32
    %dma_wait3A_77 = tpu.memref_slice %arg2[%dma_wait3A_75, %dma_wait3A_76] : memref<10240x128xf32, #tpu.memory_space<hbm>> -> memref<10240x128xf32, #tpu.memory_space<hbm>>
    tpu.wait_indirect_dma semaphore(%arg12 : memref<!tpu.dma_semaphore, #tpu.memory_space<semaphore_mem>>) src(%dma_wait3A_77 : memref<10240x128xf32, #tpu.memory_space<hbm>>) dst(%arg8 : memref<128x128xf32, #tpu.memory_space<vmem>>)
    %run_scoped3A_78 = arith.constant 38 : i32
    "tpu.region"() ({
      %run_scoped3A_93 = tpu.sem_alloc : memref<!tpu.dma_semaphore, #tpu.memory_space<semaphore_mem>>
      %dma_start3A_94 = arith.constant 0 : i32
      %dma_start3A_95 = tpu.memref_slice %arg7[%run_scoped3A_78, %dma_start3A_94] : memref<40x128xi32, #tpu.memory_space<vmem>> -> memref<1x128xi32, #tpu.memory_space<vmem>>
      %dma_start3A_96 = tpu.memref_squeeze %dma_start3A_95 : memref<1x128xi32, #tpu.memory_space<vmem>> -> memref<128xi32, #tpu.memory_space<vmem>>
      %dma_start3A_97 = arith.constant 0 : i32
      %dma_start3A_98 = arith.constant 0 : i32
      %dma_start3A_99 = tpu.memref_slice %arg11[%dma_start3A_97, %dma_start3A_98] : memref<10240x128xf32, #tpu.memory_space<vmem_shared>> -> memref<10240x128xf32, #tpu.memory_space<vmem_shared>>
      tpu.enqueue_indirect_dma source(%arg8 : memref<128x128xf32, #tpu.memory_space<vmem>>) target(%dma_start3A_99 : memref<10240x128xf32, #tpu.memory_space<vmem_shared>>) offsets(%dma_start3A_96 : memref<128xi32, #tpu.memory_space<vmem>>) semaphore(%run_scoped3A_93 : memref<!tpu.dma_semaphore, #tpu.memory_space<semaphore_mem>>) {add = true}
      %dma_wait3A_100 = arith.constant 0 : i32
      %dma_wait3A_101 = tpu.memref_slice %arg7[%run_scoped3A_78, %dma_wait3A_100] : memref<40x128xi32, #tpu.memory_space<vmem>> -> memref<1x128xi32, #tpu.memory_space<vmem>>
      %dma_wait3A_102 = tpu.memref_squeeze %dma_wait3A_101 : memref<1x128xi32, #tpu.memory_space<vmem>> -> memref<128xi32, #tpu.memory_space<vmem>>
      %dma_wait3A_103 = arith.constant 0 : i32
      %dma_wait3A_104 = arith.constant 0 : i32
      %dma_wait3A_105 = tpu.memref_slice %arg11[%dma_wait3A_103, %dma_wait3A_104] : memref<10240x128xf32, #tpu.memory_space<vmem_shared>> -> memref<10240x128xf32, #tpu.memory_space<vmem_shared>>
      tpu.wait_indirect_dma semaphore(%run_scoped3A_93 : memref<!tpu.dma_semaphore, #tpu.memory_space<semaphore_mem>>) src(%arg8 : memref<128x128xf32, #tpu.memory_space<vmem>>) dst(%dma_wait3A_105 : memref<10240x128xf32, #tpu.memory_space<vmem_shared>>)
      tpu.yield
    }) : () -> ()
    %dma_wait3A_79 = arith.constant 39 : i32
    %dma_wait3A_80 = arith.constant 0 : i32
    %dma_wait3A_81 = tpu.memref_slice %arg6[%dma_wait3A_79, %dma_wait3A_80] : memref<40x128xi32, #tpu.memory_space<vmem>> -> memref<1x128xi32, #tpu.memory_space<vmem>>
    %dma_wait3A_82 = tpu.memref_squeeze %dma_wait3A_81 : memref<1x128xi32, #tpu.memory_space<vmem>> -> memref<128xi32, #tpu.memory_space<vmem>>
    %dma_wait3A_83 = arith.constant 0 : i32
    %dma_wait3A_84 = arith.constant 0 : i32
    %dma_wait3A_85 = tpu.memref_slice %arg2[%dma_wait3A_83, %dma_wait3A_84] : memref<10240x128xf32, #tpu.memory_space<hbm>> -> memref<10240x128xf32, #tpu.memory_space<hbm>>
    tpu.wait_indirect_dma semaphore(%arg13 : memref<!tpu.dma_semaphore, #tpu.memory_space<semaphore_mem>>) src(%dma_wait3A_85 : memref<10240x128xf32, #tpu.memory_space<hbm>>) dst(%arg9 : memref<128x128xf32, #tpu.memory_space<vmem>>)
    %run_scoped3A_86 = arith.constant 39 : i32
    "tpu.region"() ({
      %run_scoped3A_93 = tpu.sem_alloc : memref<!tpu.dma_semaphore, #tpu.memory_space<semaphore_mem>>
      %dma_start3A_94 = arith.constant 0 : i32
      %dma_start3A_95 = tpu.memref_slice %arg7[%run_scoped3A_86, %dma_start3A_94] : memref<40x128xi32, #tpu.memory_space<vmem>> -> memref<1x128xi32, #tpu.memory_space<vmem>>
      %dma_start3A_96 = tpu.memref_squeeze %dma_start3A_95 : memref<1x128xi32, #tpu.memory_space<vmem>> -> memref<128xi32, #tpu.memory_space<vmem>>
      %dma_start3A_97 = arith.constant 0 : i32
      %dma_start3A_98 = arith.constant 0 : i32
      %dma_start3A_99 = tpu.memref_slice %arg11[%dma_start3A_97, %dma_start3A_98] : memref<10240x128xf32, #tpu.memory_space<vmem_shared>> -> memref<10240x128xf32, #tpu.memory_space<vmem_shared>>
      tpu.enqueue_indirect_dma source(%arg9 : memref<128x128xf32, #tpu.memory_space<vmem>>) target(%dma_start3A_99 : memref<10240x128xf32, #tpu.memory_space<vmem_shared>>) offsets(%dma_start3A_96 : memref<128xi32, #tpu.memory_space<vmem>>) semaphore(%run_scoped3A_93 : memref<!tpu.dma_semaphore, #tpu.memory_space<semaphore_mem>>) {add = true}
      %dma_wait3A_100 = arith.constant 0 : i32
      %dma_wait3A_101 = tpu.memref_slice %arg7[%run_scoped3A_86, %dma_wait3A_100] : memref<40x128xi32, #tpu.memory_space<vmem>> -> memref<1x128xi32, #tpu.memory_space<vmem>>
      %dma_wait3A_102 = tpu.memref_squeeze %dma_wait3A_101 : memref<1x128xi32, #tpu.memory_space<vmem>> -> memref<128xi32, #tpu.memory_space<vmem>>
      %dma_wait3A_103 = arith.constant 0 : i32
      %dma_wait3A_104 = arith.constant 0 : i32
      %dma_wait3A_105 = tpu.memref_slice %arg11[%dma_wait3A_103, %dma_wait3A_104] : memref<10240x128xf32, #tpu.memory_space<vmem_shared>> -> memref<10240x128xf32, #tpu.memory_space<vmem_shared>>
      tpu.wait_indirect_dma semaphore(%run_scoped3A_93 : memref<!tpu.dma_semaphore, #tpu.memory_space<semaphore_mem>>) src(%arg9 : memref<128x128xf32, #tpu.memory_space<vmem>>) dst(%dma_wait3A_105 : memref<10240x128xf32, #tpu.memory_space<vmem_shared>>)
      tpu.yield
    }) : () -> ()
    "tpu.trace_stop"() : () -> ()
    "tpu.trace_start"() <{level = 10 : i32, message = "outbar"}> : () -> ()
    %barrier3A_87 = arith.constant 0 : index
    tpu.barrier barrier_id(%barrier3A_87)
    "tpu.trace_stop"() : () -> ()
    "tpu.trace_start"() <{level = 10 : i32, message = "outcopy"}> : () -> ()
    %mul3A_88 = arith.constant 640 : i32
    %mul3A_89 = arith.muli %arg1, %mul3A_88 : i32
    %mul3A_90 = arith.constant 10240 : i32
    %mul3A_91 = arith.muli %arg0, %mul3A_90 : i32
    %add3A_92 = arith.addi %mul3A_91, %mul3A_89 : i32
    "tpu.region"() ({
      %run_scoped3A_93 = tpu.sem_alloc : memref<!tpu.dma_semaphore, #tpu.memory_space<semaphore_mem>>
      %dma_start3A_94 = arith.constant 0 : i32
      %dma_start3A_95 = tpu.memref_slice %arg5[%add3A_92, %dma_start3A_94] : memref<20480x128xf32, #tpu.memory_space<hbm>> -> memref<640x128xf32, #tpu.memory_space<hbm>>
      %dma_start3A_96 = arith.constant 0 : i32
      %dma_start3A_97 = tpu.memref_slice %arg11[%mul3A_89, %dma_start3A_96] : memref<10240x128xf32, #tpu.memory_space<vmem_shared>> -> memref<640x128xf32, #tpu.memory_space<vmem_shared>>
      tpu.enqueue_dma source(%dma_start3A_97 : memref<640x128xf32, #tpu.memory_space<vmem_shared>>) target(%dma_start3A_95 : memref<640x128xf32, #tpu.memory_space<hbm>>) target_semaphore(%run_scoped3A_93 : memref<!tpu.dma_semaphore, #tpu.memory_space<semaphore_mem>>)
      %dma_wait3A_98 = arith.constant 0 : i32
      %dma_wait3A_99 = tpu.memref_slice %arg5[%add3A_92, %dma_wait3A_98] : memref<20480x128xf32, #tpu.memory_space<hbm>> -> memref<640x128xf32, #tpu.memory_space<hbm>>
      %dma_wait3A_100 = arith.constant 0 : i32
      %dma_wait3A_101 = tpu.memref_slice %arg11[%mul3A_89, %dma_wait3A_100] : memref<10240x128xf32, #tpu.memory_space<vmem_shared>> -> memref<640x128xf32, #tpu.memory_space<vmem_shared>>
      tpu.wait_dma2 semaphore(%run_scoped3A_93 : memref<!tpu.dma_semaphore, #tpu.memory_space<semaphore_mem>>) src(%dma_wait3A_101 : memref<640x128xf32, #tpu.memory_space<vmem_shared>>) dst(%dma_wait3A_99 : memref<640x128xf32, #tpu.memory_space<hbm>>)
      tpu.yield
    }) : () -> ()
    "tpu.trace_stop"() : () -> ()
    return
  }
}

#map = affine_map<(d0, d1) -> (0, 0)>
module attributes {stable_mosaic.version = 14 : i64} {
  func.func @body(%arg0: i32, %arg1: i32, %arg2: memref<10240x128xf32, #tpu.memory_space<hbm>>, %arg3: memref<2560x128xi32, #tpu.memory_space<hbm>>, %arg4: memref<2560x128xi32, #tpu.memory_space<hbm>>, %arg5: memref<20480x128xf32, #tpu.memory_space<hbm>>, %arg6: memref<40x128xi32, #tpu.memory_space<vmem>>, %arg7: memref<40x128xi32, #tpu.memory_space<vmem>>, %arg8: memref<128x128xf32, #tpu.memory_space<vmem>>, %arg9: memref<128x128xf32, #tpu.memory_space<vmem>>, %arg10: memref<16x128xf32, #tpu.memory_space<vmem>>, %arg11: memref<10240x128xf32, #tpu.memory_space<vmem_shared>>, %arg12: memref<!tpu.dma_semaphore, #tpu.memory_space<semaphore_mem>>, %arg13: memref<!tpu.dma_semaphore, #tpu.memory_space<semaphore_mem>>) attributes {dimension_semantics = [#tpu.dimension_semantics<core_parallel>, #tpu.dimension_semantics<subcore_parallel>], iteration_bounds = array<i64: 2, 16>, scalar_prefetch = 0 : i64, scratch_operands = 8 : i64, tpu.core_type = #tpu.core_type<sc_vector_subcore>, window_params = [{transform_indices = #map}, {transform_indices = #map}, {transform_indices = #map}, {transform_indices = #map}]} {
    %mul3A = arith.constant 2 : i32
    %mul3A_0 = arith.muli %arg1, %mul3A : i32
    %add3A = arith.addi %mul3A_0, %arg0 : i32
    %mul3A_1 = arith.constant 80 : i32
    %mul3A_2 = arith.muli %add3A, %mul3A_1 : i32
    "tpu.trace_start"() <{level = 10 : i32, message = "zinit"}> : () -> ()
    %scan3A = arith.constant 0 : i32
    %scan3A_3 = arith.constant 0 : i32
    %scan3A_4 = arith.constant 16 : i32
    %scan3A_5 = arith.addi %scan3A_3, %scan3A_4 : i32
    %scan3A_6 = arith.constant 1 : i32
    scf.for %scan3A_93 = %scan3A_3 to %scan3A_5 step %scan3A_6  : i32 {
      %broadcast_in_dim3A = arith.constant 0.000000e+00 : f32
      %broadcast_in_dim3A_94 = vector.broadcast %broadcast_in_dim3A : f32 to vector<16xf32>
      %swap3A = arith.index_cast %scan3A_93 : i32 to index
      %swap3A_95 = arith.constant 0 : index
      %swap3A_96 = tpu.vector_load %arg10[%swap3A, %swap3A_95] {strides = array<i32>} : memref<16x128xf32, #tpu.memory_space<vmem>>, vector<16xf32>,
      tpu.vector_store %arg10[%swap3A, %swap3A_95], %broadcast_in_dim3A_94 {strides = array<i32>} : memref<16x128xf32, #tpu.memory_space<vmem>>, vector<16xf32>,
      %broadcast_in_dim3A_97 = arith.constant 0.000000e+00 : f32
      %broadcast_in_dim3A_98 = vector.broadcast %broadcast_in_dim3A_97 : f32 to vector<16xf32>
      %swap3A_99 = arith.index_cast %scan3A_93 : i32 to index
      %swap3A_100 = arith.constant 16 : index
      %swap3A_101 = tpu.vector_load %arg10[%swap3A_99, %swap3A_100] {strides = array<i32>} : memref<16x128xf32, #tpu.memory_space<vmem>>, vector<16xf32>,
      tpu.vector_store %arg10[%swap3A_99, %swap3A_100], %broadcast_in_dim3A_98 {strides = array<i32>} : memref<16x128xf32, #tpu.memory_space<vmem>>, vector<16xf32>,
      %broadcast_in_dim3A_102 = arith.constant 0.000000e+00 : f32
      %broadcast_in_dim3A_103 = vector.broadcast %broadcast_in_dim3A_102 : f32 to vector<16xf32>
      %swap3A_104 = arith.index_cast %scan3A_93 : i32 to index
      %swap3A_105 = arith.constant 32 : index
      %swap3A_106 = tpu.vector_load %arg10[%swap3A_104, %swap3A_105] {strides = array<i32>} : memref<16x128xf32, #tpu.memory_space<vmem>>, vector<16xf32>,
      tpu.vector_store %arg10[%swap3A_104, %swap3A_105], %broadcast_in_dim3A_103 {strides = array<i32>} : memref<16x128xf32, #tpu.memory_space<vmem>>, vector<16xf32>,
      %broadcast_in_dim3A_107 = arith.constant 0.000000e+00 : f32
      %broadcast_in_dim3A_108 = vector.broadcast %broadcast_in_dim3A_107 : f32 to vector<16xf32>
      %swap3A_109 = arith.index_cast %scan3A_93 : i32 to index
      %swap3A_110 = arith.constant 48 : index
      %swap3A_111 = tpu.vector_load %arg10[%swap3A_109, %swap3A_110] {strides = array<i32>} : memref<16x128xf32, #tpu.memory_space<vmem>>, vector<16xf32>,
      tpu.vector_store %arg10[%swap3A_109, %swap3A_110], %broadcast_in_dim3A_108 {strides = array<i32>} : memref<16x128xf32, #tpu.memory_space<vmem>>, vector<16xf32>,
      %broadcast_in_dim3A_112 = arith.constant 0.000000e+00 : f32
      %broadcast_in_dim3A_113 = vector.broadcast %broadcast_in_dim3A_112 : f32 to vector<16xf32>
      %swap3A_114 = arith.index_cast %scan3A_93 : i32 to index
      %swap3A_115 = arith.constant 64 : index
      %swap3A_116 = tpu.vector_load %arg10[%swap3A_114, %swap3A_115] {strides = array<i32>} : memref<16x128xf32, #tpu.memory_space<vmem>>, vector<16xf32>,
      tpu.vector_store %arg10[%swap3A_114, %swap3A_115], %broadcast_in_dim3A_113 {strides = array<i32>} : memref<16x128xf32, #tpu.memory_space<vmem>>, vector<16xf32>,
      %broadcast_in_dim3A_117 = arith.constant 0.000000e+00 : f32
      %broadcast_in_dim3A_118 = vector.broadcast %broadcast_in_dim3A_117 : f32 to vector<16xf32>
      %swap3A_119 = arith.index_cast %scan3A_93 : i32 to index
      %swap3A_120 = arith.constant 80 : index
      %swap3A_121 = tpu.vector_load %arg10[%swap3A_119, %swap3A_120] {strides = array<i32>} : memref<16x128xf32, #tpu.memory_space<vmem>>, vector<16xf32>,
      tpu.vector_store %arg10[%swap3A_119, %swap3A_120], %broadcast_in_dim3A_118 {strides = array<i32>} : memref<16x128xf32, #tpu.memory_space<vmem>>, vector<16xf32>,
      %broadcast_in_dim3A_122 = arith.constant 0.000000e+00 : f32
      %broadcast_in_dim3A_123 = vector.broadcast %broadcast_in_dim3A_122 : f32 to vector<16xf32>
      %swap3A_124 = arith.index_cast %scan3A_93 : i32 to index
      %swap3A_125 = arith.constant 96 : index
      %swap3A_126 = tpu.vector_load %arg10[%swap3A_124, %swap3A_125] {strides = array<i32>} : memref<16x128xf32, #tpu.memory_space<vmem>>, vector<16xf32>,
      tpu.vector_store %arg10[%swap3A_124, %swap3A_125], %broadcast_in_dim3A_123 {strides = array<i32>} : memref<16x128xf32, #tpu.memory_space<vmem>>, vector<16xf32>,
      %broadcast_in_dim3A_127 = arith.constant 0.000000e+00 : f32
      %broadcast_in_dim3A_128 = vector.broadcast %broadcast_in_dim3A_127 : f32 to vector<16xf32>
      %swap3A_129 = arith.index_cast %scan3A_93 : i32 to index
      %swap3A_130 = arith.constant 112 : index
      %swap3A_131 = tpu.vector_load %arg10[%swap3A_129, %swap3A_130] {strides = array<i32>} : memref<16x128xf32, #tpu.memory_space<vmem>>, vector<16xf32>,
      tpu.vector_store %arg10[%swap3A_129, %swap3A_130], %broadcast_in_dim3A_128 {strides = array<i32>} : memref<16x128xf32, #tpu.memory_space<vmem>>, vector<16xf32>,
    }
    %scan3A_7 = arith.constant 16 : i32
    "tpu.trace_stop"() : () -> ()
    "tpu.trace_start"() <{level = 10 : i32, message = "zcopy"}> : () -> ()
    %scan3A_8 = arith.constant 0 : i32
    %scan3A_9 = arith.constant 0 : i32
    %scan3A_10 = arith.constant 40 : i32
    %scan3A_11 = arith.addi %scan3A_9, %scan3A_10 : i32
    %scan3A_12 = arith.constant 1 : i32
    scf.for %scan3A_93 = %scan3A_9 to %scan3A_11 step %scan3A_12  : i32 {
      %mul3A_94 = arith.constant 640 : i32
      %mul3A_95 = arith.muli %arg1, %mul3A_94 : i32
      %mul3A_96 = arith.constant 16 : i32
      %mul3A_97 = arith.muli %scan3A_93, %mul3A_96 : i32
      %add3A_98 = arith.addi %mul3A_95, %mul3A_97 : i32
      "tpu.region"() ({
        %run_scoped3A_99 = tpu.sem_alloc : memref<!tpu.dma_semaphore, #tpu.memory_space<semaphore_mem>>
        %dma_start3A_100 = arith.constant 0 : i32
        %dma_start3A_101 = tpu.memref_slice %arg11[%add3A_98, %dma_start3A_100] : memref<10240x128xf32, #tpu.memory_space<vmem_shared>> -> memref<16x128xf32, #tpu.memory_space<vmem_shared>>
        %dma_start3A_102 = arith.constant 0 : i32
        %dma_start3A_103 = tpu.memref_slice %arg11[%add3A_98, %dma_start3A_102] : memref<10240x128xf32, #tpu.memory_space<vmem_shared>> -> memref<16x128xf32, #tpu.memory_space<vmem_shared>>
        tpu.enqueue_dma source(%arg10 : memref<16x128xf32, #tpu.memory_space<vmem>>) target(%dma_start3A_103 : memref<16x128xf32, #tpu.memory_space<vmem_shared>>) target_semaphore(%run_scoped3A_99 : memref<!tpu.dma_semaphore, #tpu.memory_space<semaphore_mem>>)
        %dma_wait3A_104 = arith.constant 0 : i32
        %dma_wait3A_105 = tpu.memref_slice %arg11[%add3A_98, %dma_wait3A_104] : memref<10240x128xf32, #tpu.memory_space<vmem_shared>> -> memref<16x128xf32, #tpu.memory_space<vmem_shared>>
        %dma_wait3A_106 = arith.constant 0 : i32
        %dma_wait3A_107 = tpu.memref_slice %arg11[%add3A_98, %dma_wait3A_106] : memref<10240x128xf32, #tpu.memory_space<vmem_shared>> -> memref<16x128xf32, #tpu.memory_space<vmem_shared>>
        tpu.wait_dma2 semaphore(%run_scoped3A_99 : memref<!tpu.dma_semaphore, #tpu.memory_space<semaphore_mem>>) src(%arg10 : memref<16x128xf32, #tpu.memory_space<vmem>>) dst(%dma_wait3A_107 : memref<16x128xf32, #tpu.memory_space<vmem_shared>>)
        tpu.yield
      }) : () -> ()
    }
    %scan3A_13 = arith.constant 40 : i32
    "tpu.trace_stop"() : () -> ()
    %barrier3A = arith.constant 0 : index
    tpu.barrier barrier_id(%barrier3A)
    "tpu.trace_start"() <{level = 10 : i32, message = "mainloop"}> : () -> ()
    %add3A_14 = arith.constant 0 : i32
    %add3A_15 = arith.addi %mul3A_2, %add3A_14 : i32
    "tpu.region"() ({
      %run_scoped3A_93 = tpu.sem_alloc : memref<!tpu.dma_semaphore, #tpu.memory_space<semaphore_mem>>
      %dma_start3A_94 = arith.constant 0 : i32
      %dma_start3A_95 = tpu.memref_slice %arg3[%add3A_15, %dma_start3A_94] : memref<2560x128xi32, #tpu.memory_space<hbm>> -> memref<40x128xi32, #tpu.memory_space<hbm>>
      %dma_start3A_96 = arith.constant 0 : i32
      %dma_start3A_97 = tpu.memref_slice %arg3[%add3A_15, %dma_start3A_96] : memref<2560x128xi32, #tpu.memory_space<hbm>> -> memref<40x128xi32, #tpu.memory_space<hbm>>
      tpu.enqueue_dma source(%dma_start3A_97 : memref<40x128xi32, #tpu.memory_space<hbm>>) target(%arg6 : memref<40x128xi32, #tpu.memory_space<vmem>>) target_semaphore(%run_scoped3A_93 : memref<!tpu.dma_semaphore, #tpu.memory_space<semaphore_mem>>)
      %dma_wait3A_98 = arith.constant 0 : i32
      %dma_wait3A_99 = tpu.memref_slice %arg3[%add3A_15, %dma_wait3A_98] : memref<2560x128xi32, #tpu.memory_space<hbm>> -> memref<40x128xi32, #tpu.memory_space<hbm>>
      %dma_wait3A_100 = arith.constant 0 : i32
      %dma_wait3A_101 = tpu.memref_slice %arg3[%add3A_15, %dma_wait3A_100] : memref<2560x128xi32, #tpu.memory_space<hbm>> -> memref<40x128xi32, #tpu.memory_space<hbm>>
      tpu.wait_dma2 semaphore(%run_scoped3A_93 : memref<!tpu.dma_semaphore, #tpu.memory_space<semaphore_mem>>) src(%dma_wait3A_101 : memref<40x128xi32, #tpu.memory_space<hbm>>) dst(%arg6 : memref<40x128xi32, #tpu.memory_space<vmem>>)
      tpu.yield
    }) : () -> ()
    "tpu.region"() ({
      %run_scoped3A_93 = tpu.sem_alloc : memref<!tpu.dma_semaphore, #tpu.memory_space<semaphore_mem>>
      %dma_start3A_94 = arith.constant 0 : i32
      %dma_start3A_95 = tpu.memref_slice %arg4[%add3A_15, %dma_start3A_94] : memref<2560x128xi32, #tpu.memory_space<hbm>> -> memref<40x128xi32, #tpu.memory_space<hbm>>
      %dma_start3A_96 = arith.constant 0 : i32
      %dma_start3A_97 = tpu.memref_slice %arg4[%add3A_15, %dma_start3A_96] : memref<2560x128xi32, #tpu.memory_space<hbm>> -> memref<40x128xi32, #tpu.memory_space<hbm>>
      tpu.enqueue_dma source(%dma_start3A_97 : memref<40x128xi32, #tpu.memory_space<hbm>>) target(%arg7 : memref<40x128xi32, #tpu.memory_space<vmem>>) target_semaphore(%run_scoped3A_93 : memref<!tpu.dma_semaphore, #tpu.memory_space<semaphore_mem>>)
      %dma_wait3A_98 = arith.constant 0 : i32
      %dma_wait3A_99 = tpu.memref_slice %arg4[%add3A_15, %dma_wait3A_98] : memref<2560x128xi32, #tpu.memory_space<hbm>> -> memref<40x128xi32, #tpu.memory_space<hbm>>
      %dma_wait3A_100 = arith.constant 0 : i32
      %dma_wait3A_101 = tpu.memref_slice %arg4[%add3A_15, %dma_wait3A_100] : memref<2560x128xi32, #tpu.memory_space<hbm>> -> memref<40x128xi32, #tpu.memory_space<hbm>>
      tpu.wait_dma2 semaphore(%run_scoped3A_93 : memref<!tpu.dma_semaphore, #tpu.memory_space<semaphore_mem>>) src(%dma_wait3A_101 : memref<40x128xi32, #tpu.memory_space<hbm>>) dst(%arg7 : memref<40x128xi32, #tpu.memory_space<vmem>>)
      tpu.yield
    }) : () -> ()
    %dma_start3A = arith.constant 0 : i32
    %dma_start3A_16 = arith.constant 0 : i32
    %dma_start3A_17 = tpu.memref_slice %arg6[%dma_start3A, %dma_start3A_16] : memref<40x128xi32, #tpu.memory_space<vmem>> -> memref<1x128xi32, #tpu.memory_space<vmem>>
    %dma_start3A_18 = tpu.memref_squeeze %dma_start3A_17 : memref<1x128xi32, #tpu.memory_space<vmem>> -> memref<128xi32, #tpu.memory_space<vmem>>
    %dma_start3A_19 = arith.constant 0 : i32
    %dma_start3A_20 = arith.constant 0 : i32
    %dma_start3A_21 = tpu.memref_slice %arg2[%dma_start3A_19, %dma_start3A_20] : memref<10240x128xf32, #tpu.memory_space<hbm>> -> memref<10240x128xf32, #tpu.memory_space<hbm>>
    tpu.enqueue_indirect_dma source(%dma_start3A_21 : memref<10240x128xf32, #tpu.memory_space<hbm>>) target(%arg8 : memref<128x128xf32, #tpu.memory_space<vmem>>) offsets(%dma_start3A_18 : memref<128xi32, #tpu.memory_space<vmem>>) semaphore(%arg12 : memref<!tpu.dma_semaphore, #tpu.memory_space<semaphore_mem>>)
    %dma_start3A_22 = arith.constant 1 : i32
    %dma_start3A_23 = arith.constant 0 : i32
    %dma_start3A_24 = tpu.memref_slice %arg6[%dma_start3A_22, %dma_start3A_23] : memref<40x128xi32, #tpu.memory_space<vmem>> -> memref<1x128xi32, #tpu.memory_space<vmem>>
    %dma_start3A_25 = tpu.memref_squeeze %dma_start3A_24 : memref<1x128xi32, #tpu.memory_space<vmem>> -> memref<128xi32, #tpu.memory_space<vmem>>
    %dma_start3A_26 = arith.constant 0 : i32
    %dma_start3A_27 = arith.constant 0 : i32
    %dma_start3A_28 = tpu.memref_slice %arg2[%dma_start3A_26, %dma_start3A_27] : memref<10240x128xf32, #tpu.memory_space<hbm>> -> memref<10240x128xf32, #tpu.memory_space<hbm>>
    tpu.enqueue_indirect_dma source(%dma_start3A_28 : memref<10240x128xf32, #tpu.memory_space<hbm>>) target(%arg9 : memref<128x128xf32, #tpu.memory_space<vmem>>) offsets(%dma_start3A_25 : memref<128xi32, #tpu.memory_space<vmem>>) semaphore(%arg13 : memref<!tpu.dma_semaphore, #tpu.memory_space<semaphore_mem>>)
    %scan3A_29 = arith.constant 0 : i32
    %scan3A_30 = arith.constant 0 : i32
    %scan3A_31 = arith.constant 19 : i32
    %scan3A_32 = arith.addi %scan3A_30, %scan3A_31 : i32
    %scan3A_33 = arith.constant 1 : i32
    scf.for %scan3A_93 = %scan3A_30 to %scan3A_32 step %scan3A_33  : i32 {
      %mul3A_94 = arith.constant 2 : i32
      %mul3A_95 = arith.muli %scan3A_93, %mul3A_94 : i32
      %add3A_96 = arith.constant 0 : i32
      %add3A_97 = arith.addi %mul3A_95, %add3A_96 : i32
      %dma_wait3A_98 = arith.constant 0 : i32
      %dma_wait3A_99 = tpu.memref_slice %arg6[%add3A_97, %dma_wait3A_98] : memref<40x128xi32, #tpu.memory_space<vmem>> -> memref<1x128xi32, #tpu.memory_space<vmem>>
      %dma_wait3A_100 = tpu.memref_squeeze %dma_wait3A_99 : memref<1x128xi32, #tpu.memory_space<vmem>> -> memref<128xi32, #tpu.memory_space<vmem>>
      %dma_wait3A_101 = arith.constant 0 : i32
      %dma_wait3A_102 = arith.constant 0 : i32
      %dma_wait3A_103 = tpu.memref_slice %arg2[%dma_wait3A_101, %dma_wait3A_102] : memref<10240x128xf32, #tpu.memory_space<hbm>> -> memref<10240x128xf32, #tpu.memory_space<hbm>>
      tpu.wait_indirect_dma semaphore(%arg12 : memref<!tpu.dma_semaphore, #tpu.memory_space<semaphore_mem>>) src(%dma_wait3A_103 : memref<10240x128xf32, #tpu.memory_space<hbm>>) dst(%arg8 : memref<128x128xf32, #tpu.memory_space<vmem>>)
      "tpu.region"() ({
        %run_scoped3A_130 = tpu.sem_alloc : memref<!tpu.dma_semaphore, #tpu.memory_space<semaphore_mem>>
        %dma_start3A_131 = arith.constant 0 : i32
        %dma_start3A_132 = tpu.memref_slice %arg7[%add3A_97, %dma_start3A_131] : memref<40x128xi32, #tpu.memory_space<vmem>> -> memref<1x128xi32, #tpu.memory_space<vmem>>
        %dma_start3A_133 = tpu.memref_squeeze %dma_start3A_132 : memref<1x128xi32, #tpu.memory_space<vmem>> -> memref<128xi32, #tpu.memory_space<vmem>>
        %dma_start3A_134 = arith.constant 0 : i32
        %dma_start3A_135 = arith.constant 0 : i32
        %dma_start3A_136 = tpu.memref_slice %arg11[%dma_start3A_134, %dma_start3A_135] : memref<10240x128xf32, #tpu.memory_space<vmem_shared>> -> memref<10240x128xf32, #tpu.memory_space<vmem_shared>>
        tpu.enqueue_indirect_dma source(%arg8 : memref<128x128xf32, #tpu.memory_space<vmem>>) target(%dma_start3A_136 : memref<10240x128xf32, #tpu.memory_space<vmem_shared>>) offsets(%dma_start3A_133 : memref<128xi32, #tpu.memory_space<vmem>>) semaphore(%run_scoped3A_130 : memref<!tpu.dma_semaphore, #tpu.memory_space<semaphore_mem>>) {add = true}
        %dma_wait3A_137 = arith.constant 0 : i32
        %dma_wait3A_138 = tpu.memref_slice %arg7[%add3A_97, %dma_wait3A_137] : memref<40x128xi32, #tpu.memory_space<vmem>> -> memref<1x128xi32, #tpu.memory_space<vmem>>
        %dma_wait3A_139 = tpu.memref_squeeze %dma_wait3A_138 : memref<1x128xi32, #tpu.memory_space<vmem>> -> memref<128xi32, #tpu.memory_space<vmem>>
        %dma_wait3A_140 = arith.constant 0 : i32
        %dma_wait3A_141 = arith.constant 0 : i32
        %dma_wait3A_142 = tpu.memref_slice %arg11[%dma_wait3A_140, %dma_wait3A_141] : memref<10240x128xf32, #tpu.memory_space<vmem_shared>> -> memref<10240x128xf32, #tpu.memory_space<vmem_shared>>
        tpu.wait_indirect_dma semaphore(%run_scoped3A_130 : memref<!tpu.dma_semaphore, #tpu.memory_space<semaphore_mem>>) src(%arg8 : memref<128x128xf32, #tpu.memory_space<vmem>>) dst(%dma_wait3A_142 : memref<10240x128xf32, #tpu.memory_space<vmem_shared>>)
        tpu.yield
      }) : () -> ()
      %add3A_104 = arith.constant 2 : i32
      %add3A_105 = arith.addi %add3A_97, %add3A_104 : i32
      %dma_start3A_106 = arith.constant 0 : i32
      %dma_start3A_107 = tpu.memref_slice %arg6[%add3A_105, %dma_start3A_106] : memref<40x128xi32, #tpu.memory_space<vmem>> -> memref<1x128xi32, #tpu.memory_space<vmem>>
      %dma_start3A_108 = tpu.memref_squeeze %dma_start3A_107 : memref<1x128xi32, #tpu.memory_space<vmem>> -> memref<128xi32, #tpu.memory_space<vmem>>
      %dma_start3A_109 = arith.constant 0 : i32
      %dma_start3A_110 = arith.constant 0 : i32
      %dma_start3A_111 = tpu.memref_slice %arg2[%dma_start3A_109, %dma_start3A_110] : memref<10240x128xf32, #tpu.memory_space<hbm>> -> memref<10240x128xf32, #tpu.memory_space<hbm>>
      tpu.enqueue_indirect_dma source(%dma_start3A_111 : memref<10240x128xf32, #tpu.memory_space<hbm>>) target(%arg8 : memref<128x128xf32, #tpu.memory_space<vmem>>) offsets(%dma_start3A_108 : memref<128xi32, #tpu.memory_space<vmem>>) semaphore(%arg12 : memref<!tpu.dma_semaphore, #tpu.memory_space<semaphore_mem>>)
      %mul3A_112 = arith.constant 2 : i32
      %mul3A_113 = arith.muli %scan3A_93, %mul3A_112 : i32
      %add3A_114 = arith.constant 1 : i32
      %add3A_115 = arith.addi %mul3A_113, %add3A_114 : i32
      %dma_wait3A_116 = arith.constant 0 : i32
      %dma_wait3A_117 = tpu.memref_slice %arg6[%add3A_115, %dma_wait3A_116] : memref<40x128xi32, #tpu.memory_space<vmem>> -> memref<1x128xi32, #tpu.memory_space<vmem>>
      %dma_wait3A_118 = tpu.memref_squeeze %dma_wait3A_117 : memref<1x128xi32, #tpu.memory_space<vmem>> -> memref<128xi32, #tpu.memory_space<vmem>>
      %dma_wait3A_119 = arith.constant 0 : i32
      %dma_wait3A_120 = arith.constant 0 : i32
      %dma_wait3A_121 = tpu.memref_slice %arg2[%dma_wait3A_119, %dma_wait3A_120] : memref<10240x128xf32, #tpu.memory_space<hbm>> -> memref<10240x128xf32, #tpu.memory_space<hbm>>
      tpu.wait_indirect_dma semaphore(%arg13 : memref<!tpu.dma_semaphore, #tpu.memory_space<semaphore_mem>>) src(%dma_wait3A_121 : memref<10240x128xf32, #tpu.memory_space<hbm>>) dst(%arg9 : memref<128x128xf32, #tpu.memory_space<vmem>>)
      "tpu.region"() ({
        %run_scoped3A_130 = tpu.sem_alloc : memref<!tpu.dma_semaphore, #tpu.memory_space<semaphore_mem>>
        %dma_start3A_131 = arith.constant 0 : i32
        %dma_start3A_132 = tpu.memref_slice %arg7[%add3A_115, %dma_start3A_131] : memref<40x128xi32, #tpu.memory_space<vmem>> -> memref<1x128xi32, #tpu.memory_space<vmem>>
        %dma_start3A_133 = tpu.memref_squeeze %dma_start3A_132 : memref<1x128xi32, #tpu.memory_space<vmem>> -> memref<128xi32, #tpu.memory_space<vmem>>
        %dma_start3A_134 = arith.constant 0 : i32
        %dma_start3A_135 = arith.constant 0 : i32
        %dma_start3A_136 = tpu.memref_slice %arg11[%dma_start3A_134, %dma_start3A_135] : memref<10240x128xf32, #tpu.memory_space<vmem_shared>> -> memref<10240x128xf32, #tpu.memory_space<vmem_shared>>
        tpu.enqueue_indirect_dma source(%arg9 : memref<128x128xf32, #tpu.memory_space<vmem>>) target(%dma_start3A_136 : memref<10240x128xf32, #tpu.memory_space<vmem_shared>>) offsets(%dma_start3A_133 : memref<128xi32, #tpu.memory_space<vmem>>) semaphore(%run_scoped3A_130 : memref<!tpu.dma_semaphore, #tpu.memory_space<semaphore_mem>>) {add = true}
        %dma_wait3A_137 = arith.constant 0 : i32
        %dma_wait3A_138 = tpu.memref_slice %arg7[%add3A_115, %dma_wait3A_137] : memref<40x128xi32, #tpu.memory_space<vmem>> -> memref<1x128xi32, #tpu.memory_space<vmem>>
        %dma_wait3A_139 = tpu.memref_squeeze %dma_wait3A_138 : memref<1x128xi32, #tpu.memory_space<vmem>> -> memref<128xi32, #tpu.memory_space<vmem>>
        %dma_wait3A_140 = arith.constant 0 : i32
        %dma_wait3A_141 = arith.constant 0 : i32
        %dma_wait3A_142 = tpu.memref_slice %arg11[%dma_wait3A_140, %dma_wait3A_141] : memref<10240x128xf32, #tpu.memory_space<vmem_shared>> -> memref<10240x128xf32, #tpu.memory_space<vmem_shared>>
        tpu.wait_indirect_dma semaphore(%run_scoped3A_130 : memref<!tpu.dma_semaphore, #tpu.memory_space<semaphore_mem>>) src(%arg9 : memref<128x128xf32, #tpu.memory_space<vmem>>) dst(%dma_wait3A_142 : memref<10240x128xf32, #tpu.memory_space<vmem_shared>>)
        tpu.yield
      }) : () -> ()
      %add3A_122 = arith.constant 2 : i32
      %add3A_123 = arith.addi %add3A_115, %add3A_122 : i32
      %dma_start3A_124 = arith.constant 0 : i32
      %dma_start3A_125 = tpu.memref_slice %arg6[%add3A_123, %dma_start3A_124] : memref<40x128xi32, #tpu.memory_space<vmem>> -> memref<1x128xi32, #tpu.memory_space<vmem>>
      %dma_start3A_126 = tpu.memref_squeeze %dma_start3A_125 : memref<1x128xi32, #tpu.memory_space<vmem>> -> memref<128xi32, #tpu.memory_space<vmem>>
      %dma_start3A_127 = arith.constant 0 : i32
      %dma_start3A_128 = arith.constant 0 : i32
      %dma_start3A_129 = tpu.memref_slice %arg2[%dma_start3A_127, %dma_start3A_128] : memref<10240x128xf32, #tpu.memory_space<hbm>> -> memref<10240x128xf32, #tpu.memory_space<hbm>>
      tpu.enqueue_indirect_dma source(%dma_start3A_129 : memref<10240x128xf32, #tpu.memory_space<hbm>>) target(%arg9 : memref<128x128xf32, #tpu.memory_space<vmem>>) offsets(%dma_start3A_126 : memref<128xi32, #tpu.memory_space<vmem>>) semaphore(%arg13 : memref<!tpu.dma_semaphore, #tpu.memory_space<semaphore_mem>>)
    }
    %scan3A_34 = arith.constant 19 : i32
    %dma_wait3A = arith.constant 38 : i32
    %dma_wait3A_35 = arith.constant 0 : i32
    %dma_wait3A_36 = tpu.memref_slice %arg6[%dma_wait3A, %dma_wait3A_35] : memref<40x128xi32, #tpu.memory_space<vmem>> -> memref<1x128xi32, #tpu.memory_space<vmem>>
    %dma_wait3A_37 = tpu.memref_squeeze %dma_wait3A_36 : memref<1x128xi32, #tpu.memory_space<vmem>> -> memref<128xi32, #tpu.memory_space<vmem>>
    %dma_wait3A_38 = arith.constant 0 : i32
    %dma_wait3A_39 = arith.constant 0 : i32
    %dma_wait3A_40 = tpu.memref_slice %arg2[%dma_wait3A_38, %dma_wait3A_39] : memref<10240x128xf32, #tpu.memory_space<hbm>> -> memref<10240x128xf32, #tpu.memory_space<hbm>>
    tpu.wait_indirect_dma semaphore(%arg12 : memref<!tpu.dma_semaphore, #tpu.memory_space<semaphore_mem>>) src(%dma_wait3A_40 : memref<10240x128xf32, #tpu.memory_space<hbm>>) dst(%arg8 : memref<128x128xf32, #tpu.memory_space<vmem>>)
    %run_scoped3A = arith.constant 38 : i32
    "tpu.region"() ({
      %run_scoped3A_93 = tpu.sem_alloc : memref<!tpu.dma_semaphore, #tpu.memory_space<semaphore_mem>>
      %dma_start3A_94 = arith.constant 0 : i32
      %dma_start3A_95 = tpu.memref_slice %arg7[%run_scoped3A, %dma_start3A_94] : memref<40x128xi32, #tpu.memory_space<vmem>> -> memref<1x128xi32, #tpu.memory_space<vmem>>
      %dma_start3A_96 = tpu.memref_squeeze %dma_start3A_95 : memref<1x128xi32, #tpu.memory_space<vmem>> -> memref<128xi32, #tpu.memory_space<vmem>>
      %dma_start3A_97 = arith.constant 0 : i32
      %dma_start3A_98 = arith.constant 0 : i32
      %dma_start3A_99 = tpu.memref_slice %arg11[%dma_start3A_97, %dma_start3A_98] : memref<10240x128xf32, #tpu.memory_space<vmem_shared>> -> memref<10240x128xf32, #tpu.memory_space<vmem_shared>>
      tpu.enqueue_indirect_dma source(%arg8 : memref<128x128xf32, #tpu.memory_space<vmem>>) target(%dma_start3A_99 : memref<10240x128xf32, #tpu.memory_space<vmem_shared>>) offsets(%dma_start3A_96 : memref<128xi32, #tpu.memory_space<vmem>>) semaphore(%run_scoped3A_93 : memref<!tpu.dma_semaphore, #tpu.memory_space<semaphore_mem>>) {add = true}
      %dma_wait3A_100 = arith.constant 0 : i32
      %dma_wait3A_101 = tpu.memref_slice %arg7[%run_scoped3A, %dma_wait3A_100] : memref<40x128xi32, #tpu.memory_space<vmem>> -> memref<1x128xi32, #tpu.memory_space<vmem>>
      %dma_wait3A_102 = tpu.memref_squeeze %dma_wait3A_101 : memref<1x128xi32, #tpu.memory_space<vmem>> -> memref<128xi32, #tpu.memory_space<vmem>>
      %dma_wait3A_103 = arith.constant 0 : i32
      %dma_wait3A_104 = arith.constant 0 : i32
      %dma_wait3A_105 = tpu.memref_slice %arg11[%dma_wait3A_103, %dma_wait3A_104] : memref<10240x128xf32, #tpu.memory_space<vmem_shared>> -> memref<10240x128xf32, #tpu.memory_space<vmem_shared>>
      tpu.wait_indirect_dma semaphore(%run_scoped3A_93 : memref<!tpu.dma_semaphore, #tpu.memory_space<semaphore_mem>>) src(%arg8 : memref<128x128xf32, #tpu.memory_space<vmem>>) dst(%dma_wait3A_105 : memref<10240x128xf32, #tpu.memory_space<vmem_shared>>)
      tpu.yield
    }) : () -> ()
    %dma_wait3A_41 = arith.constant 39 : i32
    %dma_wait3A_42 = arith.constant 0 : i32
    %dma_wait3A_43 = tpu.memref_slice %arg6[%dma_wait3A_41, %dma_wait3A_42] : memref<40x128xi32, #tpu.memory_space<vmem>> -> memref<1x128xi32, #tpu.memory_space<vmem>>
    %dma_wait3A_44 = tpu.memref_squeeze %dma_wait3A_43 : memref<1x128xi32, #tpu.memory_space<vmem>> -> memref<128xi32, #tpu.memory_space<vmem>>
    %dma_wait3A_45 = arith.constant 0 : i32
    %dma_wait3A_46 = arith.constant 0 : i32
    %dma_wait3A_47 = tpu.memref_slice %arg2[%dma_wait3A_45, %dma_wait3A_46] : memref<10240x128xf32, #tpu.memory_space<hbm>> -> memref<10240x128xf32, #tpu.memory_space<hbm>>
    tpu.wait_indirect_dma semaphore(%arg13 : memref<!tpu.dma_semaphore, #tpu.memory_space<semaphore_mem>>) src(%dma_wait3A_47 : memref<10240x128xf32, #tpu.memory_space<hbm>>) dst(%arg9 : memref<128x128xf32, #tpu.memory_space<vmem>>)
    %run_scoped3A_48 = arith.constant 39 : i32
    "tpu.region"() ({
      %run_scoped3A_93 = tpu.sem_alloc : memref<!tpu.dma_semaphore, #tpu.memory_space<semaphore_mem>>
      %dma_start3A_94 = arith.constant 0 : i32
      %dma_start3A_95 = tpu.memref_slice %arg7[%run_scoped3A_48, %dma_start3A_94] : memref<40x128xi32, #tpu.memory_space<vmem>> -> memref<1x128xi32, #tpu.memory_space<vmem>>
      %dma_start3A_96 = tpu.memref_squeeze %dma_start3A_95 : memref<1x128xi32, #tpu.memory_space<vmem>> -> memref<128xi32, #tpu.memory_space<vmem>>
      %dma_start3A_97 = arith.constant 0 : i32
      %dma_start3A_98 = arith.constant 0 : i32
      %dma_start3A_99 = tpu.memref_slice %arg11[%dma_start3A_97, %dma_start3A_98] : memref<10240x128xf32, #tpu.memory_space<vmem_shared>> -> memref<10240x128xf32, #tpu.memory_space<vmem_shared>>
      tpu.enqueue_indirect_dma source(%arg9 : memref<128x128xf32, #tpu.memory_space<vmem>>) target(%dma_start3A_99 : memref<10240x128xf32, #tpu.memory_space<vmem_shared>>) offsets(%dma_start3A_96 : memref<128xi32, #tpu.memory_space<vmem>>) semaphore(%run_scoped3A_93 : memref<!tpu.dma_semaphore, #tpu.memory_space<semaphore_mem>>) {add = true}
      %dma_wait3A_100 = arith.constant 0 : i32
      %dma_wait3A_101 = tpu.memref_slice %arg7[%run_scoped3A_48, %dma_wait3A_100] : memref<40x128xi32, #tpu.memory_space<vmem>> -> memref<1x128xi32, #tpu.memory_space<vmem>>
      %dma_wait3A_102 = tpu.memref_squeeze %dma_wait3A_101 : memref<1x128xi32, #tpu.memory_space<vmem>> -> memref<128xi32, #tpu.memory_space<vmem>>
      %dma_wait3A_103 = arith.constant 0 : i32
      %dma_wait3A_104 = arith.constant 0 : i32
      %dma_wait3A_105 = tpu.memref_slice %arg11[%dma_wait3A_103, %dma_wait3A_104] : memref<10240x128xf32, #tpu.memory_space<vmem_shared>> -> memref<10240x128xf32, #tpu.memory_space<vmem_shared>>
      tpu.wait_indirect_dma semaphore(%run_scoped3A_93 : memref<!tpu.dma_semaphore, #tpu.memory_space<semaphore_mem>>) src(%arg9 : memref<128x128xf32, #tpu.memory_space<vmem>>) dst(%dma_wait3A_105 : memref<10240x128xf32, #tpu.memory_space<vmem_shared>>)
      tpu.yield
    }) : () -> ()
    %add3A_49 = arith.constant 40 : i32
    %add3A_50 = arith.addi %mul3A_2, %add3A_49 : i32
    "tpu.region"() ({
      %run_scoped3A_93 = tpu.sem_alloc : memref<!tpu.dma_semaphore, #tpu.memory_space<semaphore_mem>>
      %dma_start3A_94 = arith.constant 0 : i32
      %dma_start3A_95 = tpu.memref_slice %arg3[%add3A_50, %dma_start3A_94] : memref<2560x128xi32, #tpu.memory_space<hbm>> -> memref<40x128xi32, #tpu.memory_space<hbm>>
      %dma_start3A_96 = arith.constant 0 : i32
      %dma_start3A_97 = tpu.memref_slice %arg3[%add3A_50, %dma_start3A_96] : memref<2560x128xi32, #tpu.memory_space<hbm>> -> memref<40x128xi32, #tpu.memory_space<hbm>>
      tpu.enqueue_dma source(%dma_start3A_97 : memref<40x128xi32, #tpu.memory_space<hbm>>) target(%arg6 : memref<40x128xi32, #tpu.memory_space<vmem>>) target_semaphore(%run_scoped3A_93 : memref<!tpu.dma_semaphore, #tpu.memory_space<semaphore_mem>>)
      %dma_wait3A_98 = arith.constant 0 : i32
      %dma_wait3A_99 = tpu.memref_slice %arg3[%add3A_50, %dma_wait3A_98] : memref<2560x128xi32, #tpu.memory_space<hbm>> -> memref<40x128xi32, #tpu.memory_space<hbm>>
      %dma_wait3A_100 = arith.constant 0 : i32
      %dma_wait3A_101 = tpu.memref_slice %arg3[%add3A_50, %dma_wait3A_100] : memref<2560x128xi32, #tpu.memory_space<hbm>> -> memref<40x128xi32, #tpu.memory_space<hbm>>
      tpu.wait_dma2 semaphore(%run_scoped3A_93 : memref<!tpu.dma_semaphore, #tpu.memory_space<semaphore_mem>>) src(%dma_wait3A_101 : memref<40x128xi32, #tpu.memory_space<hbm>>) dst(%arg6 : memref<40x128xi32, #tpu.memory_space<vmem>>)
      tpu.yield
    }) : () -> ()
    "tpu.region"() ({
      %run_scoped3A_93 = tpu.sem_alloc : memref<!tpu.dma_semaphore, #tpu.memory_space<semaphore_mem>>
      %dma_start3A_94 = arith.constant 0 : i32
      %dma_start3A_95 = tpu.memref_slice %arg4[%add3A_50, %dma_start3A_94] : memref<2560x128xi32, #tpu.memory_space<hbm>> -> memref<40x128xi32, #tpu.memory_space<hbm>>
      %dma_start3A_96 = arith.constant 0 : i32
      %dma_start3A_97 = tpu.memref_slice %arg4[%add3A_50, %dma_start3A_96] : memref<2560x128xi32, #tpu.memory_space<hbm>> -> memref<40x128xi32, #tpu.memory_space<hbm>>
      tpu.enqueue_dma source(%dma_start3A_97 : memref<40x128xi32, #tpu.memory_space<hbm>>) target(%arg7 : memref<40x128xi32, #tpu.memory_space<vmem>>) target_semaphore(%run_scoped3A_93 : memref<!tpu.dma_semaphore, #tpu.memory_space<semaphore_mem>>)
      %dma_wait3A_98 = arith.constant 0 : i32
      %dma_wait3A_99 = tpu.memref_slice %arg4[%add3A_50, %dma_wait3A_98] : memref<2560x128xi32, #tpu.memory_space<hbm>> -> memref<40x128xi32, #tpu.memory_space<hbm>>
      %dma_wait3A_100 = arith.constant 0 : i32
      %dma_wait3A_101 = tpu.memref_slice %arg4[%add3A_50, %dma_wait3A_100] : memref<2560x128xi32, #tpu.memory_space<hbm>> -> memref<40x128xi32, #tpu.memory_space<hbm>>
      tpu.wait_dma2 semaphore(%run_scoped3A_93 : memref<!tpu.dma_semaphore, #tpu.memory_space<semaphore_mem>>) src(%dma_wait3A_101 : memref<40x128xi32, #tpu.memory_space<hbm>>) dst(%arg7 : memref<40x128xi32, #tpu.memory_space<vmem>>)
      tpu.yield
    }) : () -> ()
    %dma_start3A_51 = arith.constant 0 : i32
    %dma_start3A_52 = arith.constant 0 : i32
    %dma_start3A_53 = tpu.memref_slice %arg6[%dma_start3A_51, %dma_start3A_52] : memref<40x128xi32, #tpu.memory_space<vmem>> -> memref<1x128xi32, #tpu.memory_space<vmem>>
    %dma_start3A_54 = tpu.memref_squeeze %dma_start3A_53 : memref<1x128xi32, #tpu.memory_space<vmem>> -> memref<128xi32, #tpu.memory_space<vmem>>
    %dma_start3A_55 = arith.constant 0 : i32
    %dma_start3A_56 = arith.constant 0 : i32
    %dma_start3A_57 = tpu.memref_slice %arg2[%dma_start3A_55, %dma_start3A_56] : memref<10240x128xf32, #tpu.memory_space<hbm>> -> memref<10240x128xf32, #tpu.memory_space<hbm>>
    tpu.enqueue_indirect_dma source(%dma_start3A_57 : memref<10240x128xf32, #tpu.memory_space<hbm>>) target(%arg8 : memref<128x128xf32, #tpu.memory_space<vmem>>) offsets(%dma_start3A_54 : memref<128xi32, #tpu.memory_space<vmem>>) semaphore(%arg12 : memref<!tpu.dma_semaphore, #tpu.memory_space<semaphore_mem>>)
    %dma_start3A_58 = arith.constant 1 : i32
    %dma_start3A_59 = arith.constant 0 : i32
    %dma_start3A_60 = tpu.memref_slice %arg6[%dma_start3A_58, %dma_start3A_59] : memref<40x128xi32, #tpu.memory_space<vmem>> -> memref<1x128xi32, #tpu.memory_space<vmem>>
    %dma_start3A_61 = tpu.memref_squeeze %dma_start3A_60 : memref<1x128xi32, #tpu.memory_space<vmem>> -> memref<128xi32, #tpu.memory_space<vmem>>
    %dma_start3A_62 = arith.constant 0 : i32
    %dma_start3A_63 = arith.constant 0 : i32
    %dma_start3A_64 = tpu.memref_slice %arg2[%dma_start3A_62, %dma_start3A_63] : memref<10240x128xf32, #tpu.memory_space<hbm>> -> memref<10240x128xf32, #tpu.memory_space<hbm>>
    tpu.enqueue_indirect_dma source(%dma_start3A_64 : memref<10240x128xf32, #tpu.memory_space<hbm>>) target(%arg9 : memref<128x128xf32, #tpu.memory_space<vmem>>) offsets(%dma_start3A_61 : memref<128xi32, #tpu.memory_space<vmem>>) semaphore(%arg13 : memref<!tpu.dma_semaphore, #tpu.memory_space<semaphore_mem>>)
    %scan3A_65 = arith.constant 0 : i32
    %scan3A_66 = arith.constant 0 : i32
    %scan3A_67 = arith.constant 19 : i32
    %scan3A_68 = arith.addi %scan3A_66, %scan3A_67 : i32
    %scan3A_69 = arith.constant 1 : i32
    scf.for %scan3A_93 = %scan3A_66 to %scan3A_68 step %scan3A_69  : i32 {
      %mul3A_94 = arith.constant 2 : i32
      %mul3A_95 = arith.muli %scan3A_93, %mul3A_94 : i32
      %add3A_96 = arith.constant 0 : i32
      %add3A_97 = arith.addi %mul3A_95, %add3A_96 : i32
      %dma_wait3A_98 = arith.constant 0 : i32
      %dma_wait3A_99 = tpu.memref_slice %arg6[%add3A_97, %dma_wait3A_98] : memref<40x128xi32, #tpu.memory_space<vmem>> -> memref<1x128xi32, #tpu.memory_space<vmem>>
      %dma_wait3A_100 = tpu.memref_squeeze %dma_wait3A_99 : memref<1x128xi32, #tpu.memory_space<vmem>> -> memref<128xi32, #tpu.memory_space<vmem>>
      %dma_wait3A_101 = arith.constant 0 : i32
      %dma_wait3A_102 = arith.constant 0 : i32
      %dma_wait3A_103 = tpu.memref_slice %arg2[%dma_wait3A_101, %dma_wait3A_102] : memref<10240x128xf32, #tpu.memory_space<hbm>> -> memref<10240x128xf32, #tpu.memory_space<hbm>>
      tpu.wait_indirect_dma semaphore(%arg12 : memref<!tpu.dma_semaphore, #tpu.memory_space<semaphore_mem>>) src(%dma_wait3A_103 : memref<10240x128xf32, #tpu.memory_space<hbm>>) dst(%arg8 : memref<128x128xf32, #tpu.memory_space<vmem>>)
      "tpu.region"() ({
        %run_scoped3A_130 = tpu.sem_alloc : memref<!tpu.dma_semaphore, #tpu.memory_space<semaphore_mem>>
        %dma_start3A_131 = arith.constant 0 : i32
        %dma_start3A_132 = tpu.memref_slice %arg7[%add3A_97, %dma_start3A_131] : memref<40x128xi32, #tpu.memory_space<vmem>> -> memref<1x128xi32, #tpu.memory_space<vmem>>
        %dma_start3A_133 = tpu.memref_squeeze %dma_start3A_132 : memref<1x128xi32, #tpu.memory_space<vmem>> -> memref<128xi32, #tpu.memory_space<vmem>>
        %dma_start3A_134 = arith.constant 0 : i32
        %dma_start3A_135 = arith.constant 0 : i32
        %dma_start3A_136 = tpu.memref_slice %arg11[%dma_start3A_134, %dma_start3A_135] : memref<10240x128xf32, #tpu.memory_space<vmem_shared>> -> memref<10240x128xf32, #tpu.memory_space<vmem_shared>>
        tpu.enqueue_indirect_dma source(%arg8 : memref<128x128xf32, #tpu.memory_space<vmem>>) target(%dma_start3A_136 : memref<10240x128xf32, #tpu.memory_space<vmem_shared>>) offsets(%dma_start3A_133 : memref<128xi32, #tpu.memory_space<vmem>>) semaphore(%run_scoped3A_130 : memref<!tpu.dma_semaphore, #tpu.memory_space<semaphore_mem>>) {add = true}
        %dma_wait3A_137 = arith.constant 0 : i32
        %dma_wait3A_138 = tpu.memref_slice %arg7[%add3A_97, %dma_wait3A_137] : memref<40x128xi32, #tpu.memory_space<vmem>> -> memref<1x128xi32, #tpu.memory_space<vmem>>
        %dma_wait3A_139 = tpu.memref_squeeze %dma_wait3A_138 : memref<1x128xi32, #tpu.memory_space<vmem>> -> memref<128xi32, #tpu.memory_space<vmem>>
        %dma_wait3A_140 = arith.constant 0 : i32
        %dma_wait3A_141 = arith.constant 0 : i32
        %dma_wait3A_142 = tpu.memref_slice %arg11[%dma_wait3A_140, %dma_wait3A_141] : memref<10240x128xf32, #tpu.memory_space<vmem_shared>> -> memref<10240x128xf32, #tpu.memory_space<vmem_shared>>
        tpu.wait_indirect_dma semaphore(%run_scoped3A_130 : memref<!tpu.dma_semaphore, #tpu.memory_space<semaphore_mem>>) src(%arg8 : memref<128x128xf32, #tpu.memory_space<vmem>>) dst(%dma_wait3A_142 : memref<10240x128xf32, #tpu.memory_space<vmem_shared>>)
        tpu.yield
      }) : () -> ()
      %add3A_104 = arith.constant 2 : i32
      %add3A_105 = arith.addi %add3A_97, %add3A_104 : i32
      %dma_start3A_106 = arith.constant 0 : i32
      %dma_start3A_107 = tpu.memref_slice %arg6[%add3A_105, %dma_start3A_106] : memref<40x128xi32, #tpu.memory_space<vmem>> -> memref<1x128xi32, #tpu.memory_space<vmem>>
      %dma_start3A_108 = tpu.memref_squeeze %dma_start3A_107 : memref<1x128xi32, #tpu.memory_space<vmem>> -> memref<128xi32, #tpu.memory_space<vmem>>
      %dma_start3A_109 = arith.constant 0 : i32
      %dma_start3A_110 = arith.constant 0 : i32
      %dma_start3A_111 = tpu.memref_slice %arg2[%dma_start3A_109, %dma_start3A_110] : memref<10240x128xf32, #tpu.memory_space<hbm>> -> memref<10240x128xf32, #tpu.memory_space<hbm>>
      tpu.enqueue_indirect_dma source(%dma_start3A_111 : memref<10240x128xf32, #tpu.memory_space<hbm>>) target(%arg8 : memref<128x128xf32, #tpu.memory_space<vmem>>) offsets(%dma_start3A_108 : memref<128xi32, #tpu.memory_space<vmem>>) semaphore(%arg12 : memref<!tpu.dma_semaphore, #tpu.memory_space<semaphore_mem>>)
      %mul3A_112 = arith.constant 2 : i32
      %mul3A_113 = arith.muli %scan3A_93, %mul3A_112 : i32
      %add3A_114 = arith.constant 1 : i32
      %add3A_115 = arith.addi %mul3A_113, %add3A_114 : i32
      %dma_wait3A_116 = arith.constant 0 : i32
      %dma_wait3A_117 = tpu.memref_slice %arg6[%add3A_115, %dma_wait3A_116] : memref<40x128xi32, #tpu.memory_space<vmem>> -> memref<1x128xi32, #tpu.memory_space<vmem>>
      %dma_wait3A_118 = tpu.memref_squeeze %dma_wait3A_117 : memref<1x128xi32, #tpu.memory_space<vmem>> -> memref<128xi32, #tpu.memory_space<vmem>>
      %dma_wait3A_119 = arith.constant 0 : i32
      %dma_wait3A_120 = arith.constant 0 : i32
      %dma_wait3A_121 = tpu.memref_slice %arg2[%dma_wait3A_119, %dma_wait3A_120] : memref<10240x128xf32, #tpu.memory_space<hbm>> -> memref<10240x128xf32, #tpu.memory_space<hbm>>
      tpu.wait_indirect_dma semaphore(%arg13 : memref<!tpu.dma_semaphore, #tpu.memory_space<semaphore_mem>>) src(%dma_wait3A_121 : memref<10240x128xf32, #tpu.memory_space<hbm>>) dst(%arg9 : memref<128x128xf32, #tpu.memory_space<vmem>>)
      "tpu.region"() ({
        %run_scoped3A_130 = tpu.sem_alloc : memref<!tpu.dma_semaphore, #tpu.memory_space<semaphore_mem>>
        %dma_start3A_131 = arith.constant 0 : i32
        %dma_start3A_132 = tpu.memref_slice %arg7[%add3A_115, %dma_start3A_131] : memref<40x128xi32, #tpu.memory_space<vmem>> -> memref<1x128xi32, #tpu.memory_space<vmem>>
        %dma_start3A_133 = tpu.memref_squeeze %dma_start3A_132 : memref<1x128xi32, #tpu.memory_space<vmem>> -> memref<128xi32, #tpu.memory_space<vmem>>
        %dma_start3A_134 = arith.constant 0 : i32
        %dma_start3A_135 = arith.constant 0 : i32
        %dma_start3A_136 = tpu.memref_slice %arg11[%dma_start3A_134, %dma_start3A_135] : memref<10240x128xf32, #tpu.memory_space<vmem_shared>> -> memref<10240x128xf32, #tpu.memory_space<vmem_shared>>
        tpu.enqueue_indirect_dma source(%arg9 : memref<128x128xf32, #tpu.memory_space<vmem>>) target(%dma_start3A_136 : memref<10240x128xf32, #tpu.memory_space<vmem_shared>>) offsets(%dma_start3A_133 : memref<128xi32, #tpu.memory_space<vmem>>) semaphore(%run_scoped3A_130 : memref<!tpu.dma_semaphore, #tpu.memory_space<semaphore_mem>>) {add = true}
        %dma_wait3A_137 = arith.constant 0 : i32
        %dma_wait3A_138 = tpu.memref_slice %arg7[%add3A_115, %dma_wait3A_137] : memref<40x128xi32, #tpu.memory_space<vmem>> -> memref<1x128xi32, #tpu.memory_space<vmem>>
        %dma_wait3A_139 = tpu.memref_squeeze %dma_wait3A_138 : memref<1x128xi32, #tpu.memory_space<vmem>> -> memref<128xi32, #tpu.memory_space<vmem>>
        %dma_wait3A_140 = arith.constant 0 : i32
        %dma_wait3A_141 = arith.constant 0 : i32
        %dma_wait3A_142 = tpu.memref_slice %arg11[%dma_wait3A_140, %dma_wait3A_141] : memref<10240x128xf32, #tpu.memory_space<vmem_shared>> -> memref<10240x128xf32, #tpu.memory_space<vmem_shared>>
        tpu.wait_indirect_dma semaphore(%run_scoped3A_130 : memref<!tpu.dma_semaphore, #tpu.memory_space<semaphore_mem>>) src(%arg9 : memref<128x128xf32, #tpu.memory_space<vmem>>) dst(%dma_wait3A_142 : memref<10240x128xf32, #tpu.memory_space<vmem_shared>>)
        tpu.yield
      }) : () -> ()
      %add3A_122 = arith.constant 2 : i32
      %add3A_123 = arith.addi %add3A_115, %add3A_122 : i32
      %dma_start3A_124 = arith.constant 0 : i32
      %dma_start3A_125 = tpu.memref_slice %arg6[%add3A_123, %dma_start3A_124] : memref<40x128xi32, #tpu.memory_space<vmem>> -> memref<1x128xi32, #tpu.memory_space<vmem>>
      %dma_start3A_126 = tpu.memref_squeeze %dma_start3A_125 : memref<1x128xi32, #tpu.memory_space<vmem>> -> memref<128xi32, #tpu.memory_space<vmem>>
      %dma_start3A_127 = arith.constant 0 : i32
      %dma_start3A_128 = arith.constant 0 : i32
      %dma_start3A_129 = tpu.memref_slice %arg2[%dma_start3A_127, %dma_start3A_128] : memref<10240x128xf32, #tpu.memory_space<hbm>> -> memref<10240x128xf32, #tpu.memory_space<hbm>>
      tpu.enqueue_indirect_dma source(%dma_start3A_129 : memref<10240x128xf32, #tpu.memory_space<hbm>>) target(%arg9 : memref<128x128xf32, #tpu.memory_space<vmem>>) offsets(%dma_start3A_126 : memref<128xi32, #tpu.memory_space<vmem>>) semaphore(%arg13 : memref<!tpu.dma_semaphore, #tpu.memory_space<semaphore_mem>>)
    }
    %scan3A_70 = arith.constant 19 : i32
    %dma_wait3A_71 = arith.constant 38 : i32
    %dma_wait3A_72 = arith.constant 0 : i32
    %dma_wait3A_73 = tpu.memref_slice %arg6[%dma_wait3A_71, %dma_wait3A_72] : memref<40x128xi32, #tpu.memory_space<vmem>> -> memref<1x128xi32, #tpu.memory_space<vmem>>
    %dma_wait3A_74 = tpu.memref_squeeze %dma_wait3A_73 : memref<1x128xi32, #tpu.memory_space<vmem>> -> memref<128xi32, #tpu.memory_space<vmem>>
    %dma_wait3A_75 = arith.constant 0 : i32
    %dma_wait3A_76 = arith.constant 0 : i32
    %dma_wait3A_77 = tpu.memref_slice %arg2[%dma_wait3A_75, %dma_wait3A_76] : memref<10240x128xf32, #tpu.memory_space<hbm>> -> memref<10240x128xf32, #tpu.memory_space<hbm>>
    tpu.wait_indirect_dma semaphore(%arg12 : memref<!tpu.dma_semaphore, #tpu.memory_space<semaphore_mem>>) src(%dma_wait3A_77 : memref<10240x128xf32, #tpu.memory_space<hbm>>) dst(%arg8 : memref<128x128xf32, #tpu.memory_space<vmem>>)
    %run_scoped3A_78 = arith.constant 38 : i32
    "tpu.region"() ({
      %run_scoped3A_93 = tpu.sem_alloc : memref<!tpu.dma_semaphore, #tpu.memory_space<semaphore_mem>>
      %dma_start3A_94 = arith.constant 0 : i32
      %dma_start3A_95 = tpu.memref_slice %arg7[%run_scoped3A_78, %dma_start3A_94] : memref<40x128xi32, #tpu.memory_space<vmem>> -> memref<1x128xi32, #tpu.memory_space<vmem>>
      %dma_start3A_96 = tpu.memref_squeeze %dma_start3A_95 : memref<1x128xi32, #tpu.memory_space<vmem>> -> memref<128xi32, #tpu.memory_space<vmem>>
      %dma_start3A_97 = arith.constant 0 : i32
      %dma_start3A_98 = arith.constant 0 : i32
      %dma_start3A_99 = tpu.memref_slice %arg11[%dma_start3A_97, %dma_start3A_98] : memref<10240x128xf32, #tpu.memory_space<vmem_shared>> -> memref<10240x128xf32, #tpu.memory_space<vmem_shared>>
      tpu.enqueue_indirect_dma source(%arg8 : memref<128x128xf32, #tpu.memory_space<vmem>>) target(%dma_start3A_99 : memref<10240x128xf32, #tpu.memory_space<vmem_shared>>) offsets(%dma_start3A_96 : memref<128xi32, #tpu.memory_space<vmem>>) semaphore(%run_scoped3A_93 : memref<!tpu.dma_semaphore, #tpu.memory_space<semaphore_mem>>) {add = true}
      %dma_wait3A_100 = arith.constant 0 : i32
      %dma_wait3A_101 = tpu.memref_slice %arg7[%run_scoped3A_78, %dma_wait3A_100] : memref<40x128xi32, #tpu.memory_space<vmem>> -> memref<1x128xi32, #tpu.memory_space<vmem>>
      %dma_wait3A_102 = tpu.memref_squeeze %dma_wait3A_101 : memref<1x128xi32, #tpu.memory_space<vmem>> -> memref<128xi32, #tpu.memory_space<vmem>>
      %dma_wait3A_103 = arith.constant 0 : i32
      %dma_wait3A_104 = arith.constant 0 : i32
      %dma_wait3A_105 = tpu.memref_slice %arg11[%dma_wait3A_103, %dma_wait3A_104] : memref<10240x128xf32, #tpu.memory_space<vmem_shared>> -> memref<10240x128xf32, #tpu.memory_space<vmem_shared>>
      tpu.wait_indirect_dma semaphore(%run_scoped3A_93 : memref<!tpu.dma_semaphore, #tpu.memory_space<semaphore_mem>>) src(%arg8 : memref<128x128xf32, #tpu.memory_space<vmem>>) dst(%dma_wait3A_105 : memref<10240x128xf32, #tpu.memory_space<vmem_shared>>)
      tpu.yield
    }) : () -> ()
    %dma_wait3A_79 = arith.constant 39 : i32
    %dma_wait3A_80 = arith.constant 0 : i32
    %dma_wait3A_81 = tpu.memref_slice %arg6[%dma_wait3A_79, %dma_wait3A_80] : memref<40x128xi32, #tpu.memory_space<vmem>> -> memref<1x128xi32, #tpu.memory_space<vmem>>
    %dma_wait3A_82 = tpu.memref_squeeze %dma_wait3A_81 : memref<1x128xi32, #tpu.memory_space<vmem>> -> memref<128xi32, #tpu.memory_space<vmem>>
    %dma_wait3A_83 = arith.constant 0 : i32
    %dma_wait3A_84 = arith.constant 0 : i32
    %dma_wait3A_85 = tpu.memref_slice %arg2[%dma_wait3A_83, %dma_wait3A_84] : memref<10240x128xf32, #tpu.memory_space<hbm>> -> memref<10240x128xf32, #tpu.memory_space<hbm>>
    tpu.wait_indirect_dma semaphore(%arg13 : memref<!tpu.dma_semaphore, #tpu.memory_space<semaphore_mem>>) src(%dma_wait3A_85 : memref<10240x128xf32, #tpu.memory_space<hbm>>) dst(%arg9 : memref<128x128xf32, #tpu.memory_space<vmem>>)
    %run_scoped3A_86 = arith.constant 39 : i32
    "tpu.region"() ({
      %run_scoped3A_93 = tpu.sem_alloc : memref<!tpu.dma_semaphore, #tpu.memory_space<semaphore_mem>>
      %dma_start3A_94 = arith.constant 0 : i32
      %dma_start3A_95 = tpu.memref_slice %arg7[%run_scoped3A_86, %dma_start3A_94] : memref<40x128xi32, #tpu.memory_space<vmem>> -> memref<1x128xi32, #tpu.memory_space<vmem>>
      %dma_start3A_96 = tpu.memref_squeeze %dma_start3A_95 : memref<1x128xi32, #tpu.memory_space<vmem>> -> memref<128xi32, #tpu.memory_space<vmem>>
      %dma_start3A_97 = arith.constant 0 : i32
      %dma_start3A_98 = arith.constant 0 : i32
      %dma_start3A_99 = tpu.memref_slice %arg11[%dma_start3A_97, %dma_start3A_98] : memref<10240x128xf32, #tpu.memory_space<vmem_shared>> -> memref<10240x128xf32, #tpu.memory_space<vmem_shared>>
      tpu.enqueue_indirect_dma source(%arg9 : memref<128x128xf32, #tpu.memory_space<vmem>>) target(%dma_start3A_99 : memref<10240x128xf32, #tpu.memory_space<vmem_shared>>) offsets(%dma_start3A_96 : memref<128xi32, #tpu.memory_space<vmem>>) semaphore(%run_scoped3A_93 : memref<!tpu.dma_semaphore, #tpu.memory_space<semaphore_mem>>) {add = true}
      %dma_wait3A_100 = arith.constant 0 : i32
      %dma_wait3A_101 = tpu.memref_slice %arg7[%run_scoped3A_86, %dma_wait3A_100] : memref<40x128xi32, #tpu.memory_space<vmem>> -> memref<1x128xi32, #tpu.memory_space<vmem>>
      %dma_wait3A_102 = tpu.memref_squeeze %dma_wait3A_101 : memref<1x128xi32, #tpu.memory_space<vmem>> -> memref<128xi32, #tpu.memory_space<vmem>>
      %dma_wait3A_103 = arith.constant 0 : i32
      %dma_wait3A_104 = arith.constant 0 : i32
      %dma_wait3A_105 = tpu.memref_slice %arg11[%dma_wait3A_103, %dma_wait3A_104] : memref<10240x128xf32, #tpu.memory_space<vmem_shared>> -> memref<10240x128xf32, #tpu.memory_space<vmem_shared>>
      tpu.wait_indirect_dma semaphore(%run_scoped3A_93 : memref<!tpu.dma_semaphore, #tpu.memory_space<semaphore_mem>>) src(%arg9 : memref<128x128xf32, #tpu.memory_space<vmem>>) dst(%dma_wait3A_105 : memref<10240x128xf32, #tpu.memory_space<vmem_shared>>)
      tpu.yield
    }) : () -> ()
    "tpu.trace_stop"() : () -> ()
    "tpu.trace_start"() <{level = 10 : i32, message = "outbar"}> : () -> ()
    %barrier3A_87 = arith.constant 0 : index
    tpu.barrier barrier_id(%barrier3A_87)
    "tpu.trace_stop"() : () -> ()
    "tpu.trace_start"() <{level = 10 : i32, message = "outcopy"}> : () -> ()
    %mul3A_88 = arith.constant 640 : i32
    %mul3A_89 = arith.muli %arg1, %mul3A_88 : i32
    %mul3A_90 = arith.constant 10240 : i32
    %mul3A_91 = arith.muli %arg0, %mul3A_90 : i32
    %add3A_92 = arith.addi %mul3A_91, %mul3A_89 : i32
    "tpu.region"() ({
      %run_scoped3A_93 = tpu.sem_alloc : memref<!tpu.dma_semaphore, #tpu.memory_space<semaphore_mem>>
      %dma_start3A_94 = arith.constant 0 : i32
      %dma_start3A_95 = tpu.memref_slice %arg5[%add3A_92, %dma_start3A_94] : memref<20480x128xf32, #tpu.memory_space<hbm>> -> memref<640x128xf32, #tpu.memory_space<hbm>>
      %dma_start3A_96 = arith.constant 0 : i32
      %dma_start3A_97 = tpu.memref_slice %arg11[%mul3A_89, %dma_start3A_96] : memref<10240x128xf32, #tpu.memory_space<vmem_shared>> -> memref<640x128xf32, #tpu.memory_space<vmem_shared>>
      tpu.enqueue_dma source(%dma_start3A_97 : memref<640x128xf32, #tpu.memory_space<vmem_shared>>) target(%dma_start3A_95 : memref<640x128xf32, #tpu.memory_space<hbm>>) target_semaphore(%run_scoped3A_93 : memref<!tpu.dma_semaphore, #tpu.memory_space<semaphore_mem>>)
      %dma_wait3A_98 = arith.constant 0 : i32
      %dma_wait3A_99 = tpu.memref_slice %arg5[%add3A_92, %dma_wait3A_98] : memref<20480x128xf32, #tpu.memory_space<hbm>> -> memref<640x128xf32, #tpu.memory_space<hbm>>
      %dma_wait3A_100 = arith.constant 0 : i32
      %dma_wait3A_101 = tpu.memref_slice %arg11[%mul3A_89, %dma_wait3A_100] : memref<10240x128xf32, #tpu.memory_space<vmem_shared>> -> memref<640x128xf32, #tpu.memory_space<vmem_shared>>
      tpu.wait_dma2 semaphore(%run_scoped3A_93 : memref<!tpu.dma_semaphore, #tpu.memory_space<semaphore_mem>>) src(%dma_wait3A_101 : memref<640x128xf32, #tpu.memory_space<vmem_shared>>) dst(%dma_wait3A_99 : memref<640x128xf32, #tpu.memory_space<hbm>>)
      tpu.yield
    }) : () -> ()
    "tpu.trace_stop"() : () -> ()
    return
  }
}

#map = affine_map<(d0, d1) -> (0, 0)>
module attributes {stable_mosaic.version = 14 : i64} {
  func.func @body(%arg0: i32, %arg1: i32, %arg2: memref<2560x128xi32, #tpu.memory_space<hbm>>, %arg3: memref<32x10240xf32, #tpu.memory_space<hbm>>, %arg4: memref<80x128xi32, #tpu.memory_space<vmem>>, %arg5: memref<10240xf32, #tpu.memory_space<vmem>>) attributes {dimension_semantics = [#tpu.dimension_semantics<core_parallel>, #tpu.dimension_semantics<subcore_parallel>], iteration_bounds = array<i64: 2, 16>, scalar_prefetch = 0 : i64, scratch_operands = 2 : i64, tpu.core_type = #tpu.core_type<sc_vector_subcore>, window_params = [{transform_indices = #map}, {transform_indices = #map}]} {
    %mul3A = arith.constant 2 : i32
    %mul3A_0 = arith.muli %arg1, %mul3A : i32
    %add3A = arith.addi %mul3A_0, %arg0 : i32
    "tpu.trace_start"() <{level = 10 : i32, message = "zcnt"}> : () -> ()
    %scan3A = arith.constant 0 : i32
    %scan3A_1 = arith.constant 0 : i32
    %scan3A_2 = arith.constant 640 : i32
    %scan3A_3 = arith.addi %scan3A_1, %scan3A_2 : i32
    %scan3A_4 = arith.constant 1 : i32
    scf.for %scan3A_15 = %scan3A_1 to %scan3A_3 step %scan3A_4  : i32 {
      %broadcast_in_dim3A_16 = arith.constant 0.000000e+00 : f32
      %broadcast_in_dim3A_17 = vector.broadcast %broadcast_in_dim3A_16 : f32 to vector<16xf32>
      %mul3A_18 = arith.constant 16 : i32
      %mul3A_19 = arith.muli %scan3A_15, %mul3A_18 : i32
      %swap3A = arith.index_cast %mul3A_19 : i32 to index
      %swap3A_20 = tpu.vector_load %arg5[%swap3A] {strides = array<i32>} : memref<10240xf32, #tpu.memory_space<vmem>>, vector<16xf32>,
      tpu.vector_store %arg5[%swap3A], %broadcast_in_dim3A_17 {strides = array<i32>} : memref<10240xf32, #tpu.memory_space<vmem>>, vector<16xf32>,
    }
    %scan3A_5 = arith.constant 640 : i32
    "tpu.trace_stop"() : () -> ()
    "tpu.trace_start"() <{level = 10 : i32, message = "cntidx"}> : () -> ()
    %mul3A_6 = arith.constant 80 : i32
    %mul3A_7 = arith.muli %add3A, %mul3A_6 : i32
    "tpu.region"() ({
      %run_scoped3A = tpu.sem_alloc : memref<!tpu.dma_semaphore, #tpu.memory_space<semaphore_mem>>
      %dma_start3A = arith.constant 0 : i32
      %dma_start3A_15 = tpu.memref_slice %arg2[%mul3A_7, %dma_start3A] : memref<2560x128xi32, #tpu.memory_space<hbm>> -> memref<80x128xi32, #tpu.memory_space<hbm>>
      %dma_start3A_16 = arith.constant 0 : i32
      %dma_start3A_17 = tpu.memref_slice %arg2[%mul3A_7, %dma_start3A_16] : memref<2560x128xi32, #tpu.memory_space<hbm>> -> memref<80x128xi32, #tpu.memory_space<hbm>>
      tpu.enqueue_dma source(%dma_start3A_17 : memref<80x128xi32, #tpu.memory_space<hbm>>) target(%arg4 : memref<80x128xi32, #tpu.memory_space<vmem>>) target_semaphore(%run_scoped3A : memref<!tpu.dma_semaphore, #tpu.memory_space<semaphore_mem>>)
      %dma_wait3A = arith.constant 0 : i32
      %dma_wait3A_18 = tpu.memref_slice %arg2[%mul3A_7, %dma_wait3A] : memref<2560x128xi32, #tpu.memory_space<hbm>> -> memref<80x128xi32, #tpu.memory_space<hbm>>
      %dma_wait3A_19 = arith.constant 0 : i32
      %dma_wait3A_20 = tpu.memref_slice %arg2[%mul3A_7, %dma_wait3A_19] : memref<2560x128xi32, #tpu.memory_space<hbm>> -> memref<80x128xi32, #tpu.memory_space<hbm>>
      tpu.wait_dma2 semaphore(%run_scoped3A : memref<!tpu.dma_semaphore, #tpu.memory_space<semaphore_mem>>) src(%dma_wait3A_20 : memref<80x128xi32, #tpu.memory_space<hbm>>) dst(%arg4 : memref<80x128xi32, #tpu.memory_space<vmem>>)
      tpu.yield
    }) : () -> ()
    %broadcast_in_dim3A = arith.constant 1.000000e+00 : f32
    "tpu.trace_stop"() : () -> ()
    %broadcast_in_dim3A_8 = vector.broadcast %broadcast_in_dim3A : f32 to vector<16xf32>
    "tpu.trace_start"() <{level = 10 : i32, message = "cntloop"}> : () -> ()
    %scan3A_9 = arith.constant 0 : i32
    %scan3A_10 = arith.constant 0 : i32
    %scan3A_11 = arith.constant 80 : i32
    %scan3A_12 = arith.addi %scan3A_10, %scan3A_11 : i32
    %scan3A_13 = arith.constant 1 : i32
    scf.for %scan3A_15 = %scan3A_10 to %scan3A_12 step %scan3A_13  : i32 {
      %get3A = arith.index_cast %scan3A_15 : i32 to index
      %get3A_16 = arith.constant 0 : index
      %get3A_17 = tpu.vector_load %arg4[%get3A, %get3A_16] {strides = array<i32>} : memref<80x128xi32, #tpu.memory_space<vmem>>, vector<16xi32>,
      tpu.vector_store_idx %arg5[%get3A_17], %broadcast_in_dim3A_8 {add = true} : memref<10240xf32, #tpu.memory_space<vmem>>[vector<16xi32>], vector<16xf32>,
      %get3A_18 = arith.index_cast %scan3A_15 : i32 to index
      %get3A_19 = arith.constant 16 : index
      %get3A_20 = tpu.vector_load %arg4[%get3A_18, %get3A_19] {strides = array<i32>} : memref<80x128xi32, #tpu.memory_space<vmem>>, vector<16xi32>,
      tpu.vector_store_idx %arg5[%get3A_20], %broadcast_in_dim3A_8 {add = true} : memref<10240xf32, #tpu.memory_space<vmem>>[vector<16xi32>], vector<16xf32>,
      %get3A_21 = arith.index_cast %scan3A_15 : i32 to index
      %get3A_22 = arith.constant 32 : index
      %get3A_23 = tpu.vector_load %arg4[%get3A_21, %get3A_22] {strides = array<i32>} : memref<80x128xi32, #tpu.memory_space<vmem>>, vector<16xi32>,
      tpu.vector_store_idx %arg5[%get3A_23], %broadcast_in_dim3A_8 {add = true} : memref<10240xf32, #tpu.memory_space<vmem>>[vector<16xi32>], vector<16xf32>,
      %get3A_24 = arith.index_cast %scan3A_15 : i32 to index
      %get3A_25 = arith.constant 48 : index
      %get3A_26 = tpu.vector_load %arg4[%get3A_24, %get3A_25] {strides = array<i32>} : memref<80x128xi32, #tpu.memory_space<vmem>>, vector<16xi32>,
      tpu.vector_store_idx %arg5[%get3A_26], %broadcast_in_dim3A_8 {add = true} : memref<10240xf32, #tpu.memory_space<vmem>>[vector<16xi32>], vector<16xf32>,
      %get3A_27 = arith.index_cast %scan3A_15 : i32 to index
      %get3A_28 = arith.constant 64 : index
      %get3A_29 = tpu.vector_load %arg4[%get3A_27, %get3A_28] {strides = array<i32>} : memref<80x128xi32, #tpu.memory_space<vmem>>, vector<16xi32>,
      tpu.vector_store_idx %arg5[%get3A_29], %broadcast_in_dim3A_8 {add = true} : memref<10240xf32, #tpu.memory_space<vmem>>[vector<16xi32>], vector<16xf32>,
      %get3A_30 = arith.index_cast %scan3A_15 : i32 to index
      %get3A_31 = arith.constant 80 : index
      %get3A_32 = tpu.vector_load %arg4[%get3A_30, %get3A_31] {strides = array<i32>} : memref<80x128xi32, #tpu.memory_space<vmem>>, vector<16xi32>,
      tpu.vector_store_idx %arg5[%get3A_32], %broadcast_in_dim3A_8 {add = true} : memref<10240xf32, #tpu.memory_space<vmem>>[vector<16xi32>], vector<16xf32>,
      %get3A_33 = arith.index_cast %scan3A_15 : i32 to index
      %get3A_34 = arith.constant 96 : index
      %get3A_35 = tpu.vector_load %arg4[%get3A_33, %get3A_34] {strides = array<i32>} : memref<80x128xi32, #tpu.memory_space<vmem>>, vector<16xi32>,
      tpu.vector_store_idx %arg5[%get3A_35], %broadcast_in_dim3A_8 {add = true} : memref<10240xf32, #tpu.memory_space<vmem>>[vector<16xi32>], vector<16xf32>,
      %get3A_36 = arith.index_cast %scan3A_15 : i32 to index
      %get3A_37 = arith.constant 112 : index
      %get3A_38 = tpu.vector_load %arg4[%get3A_36, %get3A_37] {strides = array<i32>} : memref<80x128xi32, #tpu.memory_space<vmem>>, vector<16xi32>,
      tpu.vector_store_idx %arg5[%get3A_38], %broadcast_in_dim3A_8 {add = true} : memref<10240xf32, #tpu.memory_space<vmem>>[vector<16xi32>], vector<16xf32>,
    }
    %scan3A_14 = arith.constant 80 : i32
    "tpu.trace_stop"() : () -> ()
    "tpu.trace_start"() <{level = 10 : i32, message = "cntout"}> : () -> ()
    "tpu.region"() ({
      %run_scoped3A = tpu.sem_alloc : memref<!tpu.dma_semaphore, #tpu.memory_space<semaphore_mem>>
      %dma_start3A = arith.constant 0 : i32
      %dma_start3A_15 = tpu.memref_slice %arg3[%add3A, %dma_start3A] : memref<32x10240xf32, #tpu.memory_space<hbm>> -> memref<1x10240xf32, #tpu.memory_space<hbm>>
      %dma_start3A_16 = tpu.memref_squeeze %dma_start3A_15 : memref<1x10240xf32, #tpu.memory_space<hbm>> -> memref<10240xf32, #tpu.memory_space<hbm>>
      %dma_start3A_17 = arith.constant 0 : i32
      %dma_start3A_18 = tpu.memref_slice %arg3[%add3A, %dma_start3A_17] : memref<32x10240xf32, #tpu.memory_space<hbm>> -> memref<1x10240xf32, #tpu.memory_space<hbm>>
      %dma_start3A_19 = tpu.memref_squeeze %dma_start3A_18 : memref<1x10240xf32, #tpu.memory_space<hbm>> -> memref<10240xf32, #tpu.memory_space<hbm>>
      tpu.enqueue_dma source(%arg5 : memref<10240xf32, #tpu.memory_space<vmem>>) target(%dma_start3A_19 : memref<10240xf32, #tpu.memory_space<hbm>>) target_semaphore(%run_scoped3A : memref<!tpu.dma_semaphore, #tpu.memory_space<semaphore_mem>>)
      %dma_wait3A = arith.constant 0 : i32
      %dma_wait3A_20 = tpu.memref_slice %arg3[%add3A, %dma_wait3A] : memref<32x10240xf32, #tpu.memory_space<hbm>> -> memref<1x10240xf32, #tpu.memory_space<hbm>>
      %dma_wait3A_21 = tpu.memref_squeeze %dma_wait3A_20 : memref<1x10240xf32, #tpu.memory_space<hbm>> -> memref<10240xf32, #tpu.memory_space<hbm>>
      %dma_wait3A_22 = arith.constant 0 : i32
      %dma_wait3A_23 = tpu.memref_slice %arg3[%add3A, %dma_wait3A_22] : memref<32x10240xf32, #tpu.memory_space<hbm>> -> memref<1x10240xf32, #tpu.memory_space<hbm>>
      %dma_wait3A_24 = tpu.memref_squeeze %dma_wait3A_23 : memref<1x10240xf32, #tpu.memory_space<hbm>> -> memref<10240xf32, #tpu.memory_space<hbm>>
      tpu.wait_dma2 semaphore(%run_scoped3A : memref<!tpu.dma_semaphore, #tpu.memory_space<semaphore_mem>>) src(%arg5 : memref<10240xf32, #tpu.memory_space<vmem>>) dst(%dma_wait3A_24 : memref<10240xf32, #tpu.memory_space<hbm>>)
      tpu.yield
    }) : () -> ()
    "tpu.trace_stop"() : () -> ()
    return
  }
}

module attributes {stable_mosaic.version = 14 : i64} {
  func.func @_combine_body(%arg0: i32, %arg1: memref<1024x128xf32, #tpu.memory_space<vmem>>, %arg2: memref<1024x128xf32, #tpu.memory_space<vmem>>, %arg3: memref<32x1024xf32, #tpu.memory_space<vmem>>, %arg4: memref<1024x128xf32, #tpu.memory_space<vmem>>, %arg5: memref<128x128xf32, #tpu.memory_space<vmem>>, %arg6: memref<128x128xf32, #tpu.memory_space<vmem>>, %arg7: memref<1x128xf32, #tpu.memory_space<vmem>>, %arg8: memref<1024x128xf32, #tpu.memory_space<vmem>>) attributes {dimension_semantics = [#tpu.dimension_semantics<arbitrary>], iteration_bounds = array<i64: 10>, scalar_prefetch = 0 : i64, scratch_operands = 0 : i64, tpu.core_type = #tpu.core_type<tc>, window_params = [{transform_indices = @transform_0, window_bounds = array<i64: 1024, 128>}, {transform_indices = @transform_1, window_bounds = array<i64: 1024, 128>}, {transform_indices = @transform_2, window_bounds = array<i64: 32, 1024>}, {transform_indices = @transform_3, window_bounds = array<i64: 1024, 128>}, {pipeline_mode = #tpu.pipeline_mode<synchronous>, transform_indices = @transform_4, window_bounds = array<i64: 128, 128>}, {pipeline_mode = #tpu.pipeline_mode<synchronous>, transform_indices = @transform_5, window_bounds = array<i64: 128, 128>}, {pipeline_mode = #tpu.pipeline_mode<synchronous>, transform_indices = @transform_6, window_bounds = array<i64: 1, 128>}, {transform_indices = @transform_7, window_bounds = array<i64: 1024, 128>}]} {
    %get3A = arith.constant 0 : index
    %get3A_0 = arith.constant 0 : index
    %get3A_1 = vector.load %arg3[%get3A, %get3A_0] : memref<32x1024xf32, #tpu.memory_space<vmem>>, vector<32x1024xf32>
    %reduce_sum3A = arith.constant dense<0.000000e+00> : vector<1024xf32>
    %reduce_sum3A_2 = vector.multi_reduction <add>, %get3A_1, %reduce_sum3A [0] : vector<32x1024xf32> to vector<1024xf32>
    %max3A = arith.constant 1.000000e+00 : f32
    %max3A_3 = vector.broadcast %max3A : f32 to vector<1024xf32>
    %max3A_4 = arith.maximumf %reduce_sum3A_2, %max3A_3 : vector<1024xf32>
    %div3A = arith.constant 1.000000e+00 : f32
    %div3A_5 = vector.broadcast %div3A : f32 to vector<1024xf32>
    %div3A_6 = arith.divf %div3A_5, %max3A_4 : vector<1024xf32>
    %get3A_7 = arith.constant 0 : index
    %get3A_8 = arith.constant 0 : index
    %get3A_9 = vector.load %arg1[%get3A_7, %get3A_8] : memref<1024x128xf32, #tpu.memory_space<vmem>>, vector<1024x128xf32>
    %get3A_10 = arith.constant 0 : index
    %get3A_11 = arith.constant 0 : index
    %get3A_12 = vector.load %arg2[%get3A_10, %get3A_11] : memref<1024x128xf32, #tpu.memory_space<vmem>>, vector<1024x128xf32>
    %add3A = arith.addf %get3A_9, %get3A_12 : vector<1024x128xf32>
    %broadcast_in_dim3A = vector.shape_cast %div3A_6 : vector<1024xf32> to vector<1024x1xf32>
    %mul3A = vector.broadcast %broadcast_in_dim3A : vector<1024x1xf32> to vector<1024x128xf32>
    %mul3A_13 = arith.mulf %add3A, %mul3A : vector<1024x128xf32>
    %get3A_14 = arith.constant 0 : index
    %get3A_15 = arith.constant 0 : index
    %get3A_16 = vector.load %arg5[%get3A_14, %get3A_15] : memref<128x128xf32, #tpu.memory_space<vmem>>, vector<128x128xf32>
    %dot_general3A = arith.constant dense<0.000000e+00> : vector<1024x128xf32>
    %dot_general3A_17 = tpu.matmul %mul3A_13, %get3A_16, %dot_general3A {dimension_numbers = #tpu.dot_dimension_numbers<[1], [0], [0], [1], [0, 0, 1, 1], [], []>, transpose_lhs_hint = false} : vector<1024x128xf32>, vector<128x128xf32>, vector<1024x128xf32> -> vector<1024x128xf32>
    %get3A_18 = arith.constant 0 : index
    %get3A_19 = arith.constant 0 : index
    %get3A_20 = vector.load %arg4[%get3A_18, %get3A_19] : memref<1024x128xf32, #tpu.memory_space<vmem>>, vector<1024x128xf32>
    %get3A_21 = arith.constant 0 : index
    %get3A_22 = arith.constant 0 : index
    %get3A_23 = vector.load %arg6[%get3A_21, %get3A_22] : memref<128x128xf32, #tpu.memory_space<vmem>>, vector<128x128xf32>
    %dot_general3A_24 = arith.constant dense<0.000000e+00> : vector<1024x128xf32>
    %dot_general3A_25 = tpu.matmul %get3A_20, %get3A_23, %dot_general3A_24 {dimension_numbers = #tpu.dot_dimension_numbers<[1], [0], [0], [1], [0, 0, 1, 1], [], []>, transpose_lhs_hint = false} : vector<1024x128xf32>, vector<128x128xf32>, vector<1024x128xf32> -> vector<1024x128xf32>
    %add3A_26 = arith.addf %dot_general3A_17, %dot_general3A_25 : vector<1024x128xf32>
    %get3A_27 = arith.constant 0 : index
    %get3A_28 = arith.constant 0 : index
    %get3A_29 = vector.load %arg7[%get3A_27, %get3A_28] : memref<1x128xf32, #tpu.memory_space<vmem>>, vector<1x128xf32>
    %add3A_30 = vector.broadcast %get3A_29 : vector<1x128xf32> to vector<1024x128xf32>
    %add3A_31 = arith.addf %add3A_26, %add3A_30 : vector<1024x128xf32>
    %max3A_32 = arith.constant 0.000000e+00 : f32
    %max3A_33 = vector.broadcast %max3A_32 : f32 to vector<1024x128xf32>
    %max3A_34 = arith.maximumf %add3A_31, %max3A_33 : vector<1024x128xf32>
    %swap3A = arith.constant 0 : index
    %swap3A_35 = arith.constant 0 : index
    %swap3A_36 = vector.load %arg8[%swap3A, %swap3A_35] : memref<1024x128xf32, #tpu.memory_space<vmem>>, vector<1024x128xf32>
    tpu.vector_store %arg8[%swap3A, %swap3A_35], %max3A_34 {strides = array<i32>} : memref<1024x128xf32, #tpu.memory_space<vmem>>, vector<1024x128xf32>,
    return
  }
  func.func @transform_0(%arg0: i32) -> (i32, i32) {
    %c0_i32 = arith.constant 0 : i32
    %c0_i32_0 = arith.constant 0 : i32
    return %arg0, %c0_i32 : i32, i32
  }
  func.func @transform_1(%arg0: i32) -> (i32, i32) {
    %add3A = arith.constant 10 : i32
    %add3A_0 = arith.addi %arg0, %add3A : i32
    %c0_i32 = arith.constant 0 : i32
    %c0_i32_1 = arith.constant 0 : i32
    return %add3A_0, %c0_i32 : i32, i32
  }
  func.func @transform_2(%arg0: i32) -> (i32, i32) {
    %c0_i32 = arith.constant 0 : i32
    %c0_i32_0 = arith.constant 0 : i32
    return %c0_i32, %arg0 : i32, i32
  }
  func.func @transform_3(%arg0: i32) -> (i32, i32) {
    %c0_i32 = arith.constant 0 : i32
    %c0_i32_0 = arith.constant 0 : i32
    return %arg0, %c0_i32 : i32, i32
  }
  func.func @transform_4(%arg0: i32) -> (i32, i32) {
    %c0_i32 = arith.constant 0 : i32
    %c0_i32_0 = arith.constant 0 : i32
    %c0_i32_1 = arith.constant 0 : i32
    return %c0_i32, %c0_i32_0 : i32, i32
  }
  func.func @transform_5(%arg0: i32) -> (i32, i32) {
    %c0_i32 = arith.constant 0 : i32
    %c0_i32_0 = arith.constant 0 : i32
    %c0_i32_1 = arith.constant 0 : i32
    return %c0_i32, %c0_i32_0 : i32, i32
  }
  func.func @transform_6(%arg0: i32) -> (i32, i32) {
    %c0_i32 = arith.constant 0 : i32
    %c0_i32_0 = arith.constant 0 : i32
    %c0_i32_1 = arith.constant 0 : i32
    return %c0_i32, %c0_i32_0 : i32, i32
  }
  func.func @transform_7(%arg0: i32) -> (i32, i32) {
    %c0_i32 = arith.constant 0 : i32
    %c0_i32_0 = arith.constant 0 : i32
    return %arg0, %c0_i32 : i32, i32
  }
}

module attributes {stable_mosaic.version = 14 : i64} {
  func.func @_combine_body(%arg0: i32, %arg1: memref<1024x128xf32, #tpu.memory_space<vmem>>, %arg2: memref<1024x128xf32, #tpu.memory_space<vmem>>, %arg3: memref<32x1024xf32, #tpu.memory_space<vmem>>, %arg4: memref<1024x128xf32, #tpu.memory_space<vmem>>, %arg5: memref<128x128xf32, #tpu.memory_space<vmem>>, %arg6: memref<128x128xf32, #tpu.memory_space<vmem>>, %arg7: memref<1x128xf32, #tpu.memory_space<vmem>>, %arg8: memref<1024x128xf32, #tpu.memory_space<vmem>>) attributes {dimension_semantics = [#tpu.dimension_semantics<arbitrary>], iteration_bounds = array<i64: 10>, scalar_prefetch = 0 : i64, scratch_operands = 0 : i64, tpu.core_type = #tpu.core_type<tc>, window_params = [{transform_indices = @transform_0, window_bounds = array<i64: 1024, 128>}, {transform_indices = @transform_1, window_bounds = array<i64: 1024, 128>}, {transform_indices = @transform_2, window_bounds = array<i64: 32, 1024>}, {transform_indices = @transform_3, window_bounds = array<i64: 1024, 128>}, {pipeline_mode = #tpu.pipeline_mode<synchronous>, transform_indices = @transform_4, window_bounds = array<i64: 128, 128>}, {pipeline_mode = #tpu.pipeline_mode<synchronous>, transform_indices = @transform_5, window_bounds = array<i64: 128, 128>}, {pipeline_mode = #tpu.pipeline_mode<synchronous>, transform_indices = @transform_6, window_bounds = array<i64: 1, 128>}, {transform_indices = @transform_7, window_bounds = array<i64: 1024, 128>}]} {
    %get3A = arith.constant 0 : index
    %get3A_0 = arith.constant 0 : index
    %get3A_1 = vector.load %arg3[%get3A, %get3A_0] : memref<32x1024xf32, #tpu.memory_space<vmem>>, vector<32x1024xf32>
    %reduce_sum3A = arith.constant dense<0.000000e+00> : vector<1024xf32>
    %reduce_sum3A_2 = vector.multi_reduction <add>, %get3A_1, %reduce_sum3A [0] : vector<32x1024xf32> to vector<1024xf32>
    %max3A = arith.constant 1.000000e+00 : f32
    %max3A_3 = vector.broadcast %max3A : f32 to vector<1024xf32>
    %max3A_4 = arith.maximumf %reduce_sum3A_2, %max3A_3 : vector<1024xf32>
    %div3A = arith.constant 1.000000e+00 : f32
    %div3A_5 = vector.broadcast %div3A : f32 to vector<1024xf32>
    %div3A_6 = arith.divf %div3A_5, %max3A_4 : vector<1024xf32>
    %get3A_7 = arith.constant 0 : index
    %get3A_8 = arith.constant 0 : index
    %get3A_9 = vector.load %arg1[%get3A_7, %get3A_8] : memref<1024x128xf32, #tpu.memory_space<vmem>>, vector<1024x128xf32>
    %get3A_10 = arith.constant 0 : index
    %get3A_11 = arith.constant 0 : index
    %get3A_12 = vector.load %arg2[%get3A_10, %get3A_11] : memref<1024x128xf32, #tpu.memory_space<vmem>>, vector<1024x128xf32>
    %add3A = arith.addf %get3A_9, %get3A_12 : vector<1024x128xf32>
    %broadcast_in_dim3A = vector.shape_cast %div3A_6 : vector<1024xf32> to vector<1024x1xf32>
    %mul3A = vector.broadcast %broadcast_in_dim3A : vector<1024x1xf32> to vector<1024x128xf32>
    %mul3A_13 = arith.mulf %add3A, %mul3A : vector<1024x128xf32>
    %get3A_14 = arith.constant 0 : index
    %get3A_15 = arith.constant 0 : index
    %get3A_16 = vector.load %arg5[%get3A_14, %get3A_15] : memref<128x128xf32, #tpu.memory_space<vmem>>, vector<128x128xf32>
    %dot_general3A = arith.constant dense<0.000000e+00> : vector<1024x128xf32>
    %dot_general3A_17 = tpu.matmul %mul3A_13, %get3A_16, %dot_general3A {dimension_numbers = #tpu.dot_dimension_numbers<[1], [0], [0], [1], [0, 0, 1, 1], [], []>, transpose_lhs_hint = false} : vector<1024x128xf32>, vector<128x128xf32>, vector<1024x128xf32> -> vector<1024x128xf32>
    %get3A_18 = arith.constant 0 : index
    %get3A_19 = arith.constant 0 : index
    %get3A_20 = vector.load %arg4[%get3A_18, %get3A_19] : memref<1024x128xf32, #tpu.memory_space<vmem>>, vector<1024x128xf32>
    %get3A_21 = arith.constant 0 : index
    %get3A_22 = arith.constant 0 : index
    %get3A_23 = vector.load %arg6[%get3A_21, %get3A_22] : memref<128x128xf32, #tpu.memory_space<vmem>>, vector<128x128xf32>
    %dot_general3A_24 = arith.constant dense<0.000000e+00> : vector<1024x128xf32>
    %dot_general3A_25 = tpu.matmul %get3A_20, %get3A_23, %dot_general3A_24 {dimension_numbers = #tpu.dot_dimension_numbers<[1], [0], [0], [1], [0, 0, 1, 1], [], []>, transpose_lhs_hint = false} : vector<1024x128xf32>, vector<128x128xf32>, vector<1024x128xf32> -> vector<1024x128xf32>
    %add3A_26 = arith.addf %dot_general3A_17, %dot_general3A_25 : vector<1024x128xf32>
    %get3A_27 = arith.constant 0 : index
    %get3A_28 = arith.constant 0 : index
    %get3A_29 = vector.load %arg7[%get3A_27, %get3A_28] : memref<1x128xf32, #tpu.memory_space<vmem>>, vector<1x128xf32>
    %add3A_30 = vector.broadcast %get3A_29 : vector<1x128xf32> to vector<1024x128xf32>
    %add3A_31 = arith.addf %add3A_26, %add3A_30 : vector<1024x128xf32>
    %logistic3A = arith.negf %add3A_31 : vector<1024x128xf32>
    %logistic3A_32 = math.exp %logistic3A : vector<1024x128xf32>
    %logistic3A_33 = arith.constant 1.000000e+00 : f32
    %logistic3A_34 = vector.broadcast %logistic3A_33 : f32 to vector<1024x128xf32>
    %logistic3A_35 = arith.addf %logistic3A_34, %logistic3A_32 : vector<1024x128xf32>
    %logistic3A_36 = arith.divf %logistic3A_34, %logistic3A_35 : vector<1024x128xf32>
    %swap3A = arith.constant 0 : index
    %swap3A_37 = arith.constant 0 : index
    %swap3A_38 = vector.load %arg8[%swap3A, %swap3A_37] : memref<1024x128xf32, #tpu.memory_space<vmem>>, vector<1024x128xf32>
    tpu.vector_store %arg8[%swap3A, %swap3A_37], %logistic3A_36 {strides = array<i32>} : memref<1024x128xf32, #tpu.memory_space<vmem>>, vector<1024x128xf32>,
    return
  }
  func.func @transform_0(%arg0: i32) -> (i32, i32) {
    %c0_i32 = arith.constant 0 : i32
    %c0_i32_0 = arith.constant 0 : i32
    return %arg0, %c0_i32 : i32, i32
  }
  func.func @transform_1(%arg0: i32) -> (i32, i32) {
    %add3A = arith.constant 10 : i32
    %add3A_0 = arith.addi %arg0, %add3A : i32
    %c0_i32 = arith.constant 0 : i32
    %c0_i32_1 = arith.constant 0 : i32
    return %add3A_0, %c0_i32 : i32, i32
  }
  func.func @transform_2(%arg0: i32) -> (i32, i32) {
    %c0_i32 = arith.constant 0 : i32
    %c0_i32_0 = arith.constant 0 : i32
    return %c0_i32, %arg0 : i32, i32
  }
  func.func @transform_3(%arg0: i32) -> (i32, i32) {
    %c0_i32 = arith.constant 0 : i32
    %c0_i32_0 = arith.constant 0 : i32
    return %arg0, %c0_i32 : i32, i32
  }
  func.func @transform_4(%arg0: i32) -> (i32, i32) {
    %c0_i32 = arith.constant 0 : i32
    %c0_i32_0 = arith.constant 0 : i32
    %c0_i32_1 = arith.constant 0 : i32
    return %c0_i32, %c0_i32_0 : i32, i32
  }
  func.func @transform_5(%arg0: i32) -> (i32, i32) {
    %c0_i32 = arith.constant 0 : i32
    %c0_i32_0 = arith.constant 0 : i32
    %c0_i32_1 = arith.constant 0 : i32
    return %c0_i32, %c0_i32_0 : i32, i32
  }
  func.func @transform_6(%arg0: i32) -> (i32, i32) {
    %c0_i32 = arith.constant 0 : i32
    %c0_i32_0 = arith.constant 0 : i32
    %c0_i32_1 = arith.constant 0 : i32
    return %c0_i32, %c0_i32_0 : i32, i32
  }
  func.func @transform_7(%arg0: i32) -> (i32, i32) {
    %c0_i32 = arith.constant 0 : i32
    %c0_i32_0 = arith.constant 0 : i32
    return %arg0, %c0_i32 : i32, i32
  }
}

</mosaic_0001>

<sc_bundles>
// kernel: kernel.10.cloned.1.call-start
scs
__scs_entry_jumppad:
0x0: {  	(pc) =	sbr.rel $0x88, $3  }
0x1: {  	(tag) =	ssettag $0x0;
	lr =	simm.s32 $0x1  }
0x2: {  	[smem:$0x3F99] =	sst lr;
	_ =	strace $0xD0000000  }
0x3: {  	_ = 	snop  }
0x4: {  	_ = 	snop  }
0x5: {  	_ = 	snop  }
0x6: {  	_ = 	snop  }
0x7: {  	_ = 	snop  }
__scs_overlays_trampoline_lowered:
0x8: {  	[smem:$0x3FA8] =	sst s0  }
0x9: {  	[smem:$0x3FA9] =	sst s1  }
0xa: {  	[smem:$0x3FAA] =	sst s2  }
0xb: {  	[smem:$0x3FAB] =	sst s3  }
0xc: {  	[smem:$0x3FAC] =	sst s4  }
0xd: {  	[smem:$0x3FAD] =	sst s5  }
0xe: {  	[smem:$0x3FAE] =	sst s6  }
0xf: {  	[smem:$0x3FAF] =	sst s7  }
0x10: {  	[smem:$0x3FB0] =	sst s8  }
0x11: {  	[smem:$0x3FB1] =	sst s9;
	s0 =	simm.s32 @!p0 $0x0  }
0x12: {  	s1 =	sld [smem:$0x3F97];
	s0 =	simm.s32 @p0 $0x1  }
0x13: {  	[smem:$0x3FB2] =	sst s0;
	s0 =	simm.s32 @!p1 $0x0  }
0x14: {  	s2 =	sld [smem:$0x3F96];
	s0 =	simm.s32 @p1 $0x1  }
0x15: {  	[smem:$0x3FB3] =	sst s0;
	s0 =	simm.s32 @!p2 $0x0  }
0x16: {  	s3 =	sld [smem:$0x3FDB];
	s0 =	simm.s32 @p2 $0x1  }
0x17: {  	s4 =	simm.s32 $0x1BF5;
	[smem:$0x3FB5] =	sst s0  }
0x18: {  	s0 =	sld [smem:$0x3F98];
	_ =	swait.ge [sflag:s4], $0x0  }
0x19: {  	s7 =	sld [smem:$0x3F99]  }
0x1a: {  	s8 =	sadd.s32 $0xFFFFE003, lr  }
0x1b: {  	s9 =	sadd.s32 $0xFFFFFEF7, lr;
	s5 =	simm.s32 $0xFFFFFFFF;
	p2 =	slt.u32 s8, $0xFFFFF086  }
0x1c: {  	p1 =	slt.u32 s9, $0xF7A;
	s5 =	simm.s32 @!p2 $0x0  }
0x1d: {  	s5 =	simm.s32 @p1 $0x1;
	p0 =	seq.s32 s7, s2  }
0x1e: {  	s7 =	smul.u32 @!p0 $0xF7A, s2;
	p2 =	seq.s32 @!p0 s5, $0x0  }
0x1f: {  	s9 =	smul.u32 $0xF7A, s1;
	s8 =	simm.s32 @!p0 $0x1BF5;
	p2 =	por !p2, p0  }
0x20: {  	[sflag:s8] =	ssyncset.s32 @!p0 $0xFFFFF086;
	s6 =	sadd.s32 @!p0 s3, s7;
	s7 =	simm.s32 @!p0 $0x108  }
0x21: {  	s3 =	sadd.s32 s3, s9;
	s6 =	sadd.s32 @!p0 $0x88, s6;
	s7 =	simm.s32 @p2 $0x1082  }
0x22: {  	[simem:s7], [sflag:s8] =	dma.local @!p0 [hbm:s6], $0xF7A  }
0x23: {  	s9 =	sor.u32 $0xD0000000, s2;
	s6 =	simm.s32 $0x108;
	_ =	swait.ge @!p0 [sflag:s8], $0x0  }
0x24: {  	s3 =	sadd.s32 $0x88, s3;
	s6 =	simm.s32 @!p1 $0x1082;
	[sflag:s4] =	ssyncset.s32 $0xFFFFF086  }
0x25: {  	[simem:s6], [sflag:s4] =	dma.local [hbm:s3], $0xF7A  }
0x26: {  	[smem:$0x3F99] =	sst s1;
	(tag) =	ssettag s2;
	_ =	strace s9  }
0x27: {  	s1 =	sld [smem:$0x3FA9]  }
0x28: {  	s2 =	sld [smem:$0x3FAA]  }
0x29: {  	s4 =	sld [smem:$0x3FAC]  }
0x2a: {  	p0 =	seq.s32 s5, $0x0;
	s5 =	sld [smem:$0x3FAD]  }
0x2b: {  	s6 =	sld [smem:$0x3FAE]  }
0x2c: {  	s7 =	sld [smem:$0x3FAF]  }
0x2d: {  	s3 =	simm.s32 $0x108;
	s8 =	sld [smem:$0x3FB0]  }
0x2e: {  	s3 =	simm.s32 @!p0 $0x1082;
	s9 =	sld [smem:$0x3FB1]  }
0x2f: {  	lr =	sadd.s32 s0, s3;
	s0 =	sld [smem:$0x3FA8]  }
0x30: {  	s3 =	sld [smem:$0x3FAB]  }
0x31: {  	[smem:$0x3FB4] =	sst s10  }
0x32: {  	s10 =	sld [smem:$0x3FB2];
	_ =	sdelay $0x3  }
0x33: {  	p0 =	seq.s32 s10, $0x1;
	s10 =	sld [smem:$0x3FB4];
	_ =	sdelay $0x3  }
0x34: {  	[smem:$0x3FB4] =	sst s10  }
0x35: {  	s10 =	sld [smem:$0x3FB3];
	_ =	sdelay $0x3  }
0x36: {  	p1 =	seq.s32 s10, $0x1;
	s10 =	sld [smem:$0x3FB4];
	_ =	sdelay $0x3  }
0x37: {  	[smem:$0x3FB4] =	sst s10  }
0x38: {  	s10 =	sld [smem:$0x3FB5]  }
0x39: {  	_ = 	snop;
	(pc) =	sbr.ind lr, $3  }
0x3a: {  	_ = 	snop  }
0x3b: {  	_ = 	snop  }
0x3c: {  	p2 =	seq.s32 s10, $0x1;
	s10 =	sld [smem:$0x3FB4]  }
0x3d: {  	_ =	shalt  }
0x3e: {  	_ =	shalt  }
0x3f: {  	_ =	shalt  }
0x40: {  	_ =	shalt  }
0x41: {  	_ =	shalt  }
0x42: {  	_ =	shalt  }
0x43: {  	_ =	shalt  }
0x44: {  	_ =	shalt  }
0x45: {  	_ =	shalt  }
0x46: {  	_ =	shalt  }
0x47: {  	_ =	shalt  }
0x48: {  	_ =	shalt  }
0x49: {  	_ =	shalt  }
0x4a: {  	_ =	shalt  }
0x4b: {  	_ =	shalt  }
0x4c: {  	_ =	shalt  }
0x4d: {  	_ =	shalt  }
0x4e: {  	_ =	shalt  }
0x4f: {  	_ =	shalt  }
0x50: {  	_ =	shalt  }
0x51: {  	_ =	shalt  }
0x52: {  	_ =	shalt  }
0x53: {  	_ =	shalt  }
0x54: {  	_ =	shalt  }
0x55: {  	_ =	shalt  }
0x56: {  	_ =	shalt  }
0x57: {  	_ =	shalt  }
0x58: {  	_ =	shalt  }
0x59: {  	_ =	shalt  }
0x5a: {  	_ =	shalt  }
0x5b: {  	_ =	shalt  }
0x5c: {  	_ =	shalt  }
0x5d: {  	_ =	shalt  }
0x5e: {  	_ =	shalt  }
0x5f: {  	_ =	shalt  }
0x60: {  	_ =	shalt  }
0x61: {  	_ =	shalt  }
0x62: {  	_ =	shalt  }
0x63: {  	_ =	shalt  }
0x64: {  	_ =	shalt  }
0x65: {  	_ =	shalt  }
0x66: {  	_ =	shalt  }
0x67: {  	_ =	shalt  }
0x68: {  	_ =	shalt  }
0x69: {  	_ =	shalt  }
0x6a: {  	_ =	shalt  }
0x6b: {  	_ =	shalt  }
0x6c: {  	_ =	shalt  }
0x6d: {  	_ =	shalt  }
0x6e: {  	_ =	shalt  }
0x6f: {  	_ =	shalt  }
0x70: {  	_ =	shalt  }
0x71: {  	_ =	shalt  }
0x72: {  	_ =	shalt  }
0x73: {  	_ =	shalt  }
0x74: {  	_ =	shalt  }
0x75: {  	_ =	shalt  }
0x76: {  	_ =	shalt  }
0x77: {  	_ =	shalt  }
0x78: {  	_ =	shalt  }
0x79: {  	_ =	shalt  }
0x7a: {  	_ =	shalt  }
0x7b: {  	_ =	shalt  }
0x7c: {  	_ =	shalt  }
0x7d: {  	_ =	shalt  }
0x7e: {  	_ =	shalt  }
0x7f: {  	_ =	shalt  }
0x80: {  	_ =	shalt  }
0x81: {  	_ =	shalt  }
0x82: {  	_ =	shalt  }
0x83: {  	_ =	shalt  }
0x84: {  	_ =	shalt  }
0x85: {  	_ =	shalt  }
0x86: {  	_ =	shalt  }
0x87: {  	_ =	shalt  }
.Lfunc_end0:
.L_simem_size_0:
called_computation.1_lowered:
.L_overlay_start_0:
0x88: {  	s2 =	sld [smem:$0x3FD9]  }
0x89: {  	s3 =	sld [smem:$0x3FFE];
	_ =	sdelay $0x1  }
0x8a: {  	s1 =	srdreg.scid  }
0x8b: {  	s0 =	sand.u32 $0x1, s1  }
0x8c: {  	s17 =	sshll.u32 s0, $0xA;
	s2 =	sadd.s32 s3, s2  }
0x8d: {  	s2 =	sadd.s32 s2, s17  }
0x8e: {  	[smem:$0x3FC0] =	sst s2  }
0x8f: {  	_ = 	snop  }
0x90: {  	(tm) =	ssettm $0x1  }
0x91: {  	s18 =	sld [smem:$0x3FFB];
	_ =	sdelay $0x3  }
0x92: {  	_ =	strace s18  }
0x93: {  	s2 =	sld [smem:$0x3FFC];
	_ =	sdelay $0x3  }
0x94: {  	_ =	strace s2  }
0x95: {  	s2 =	sld [smem:$0x3FFD];
	_ =	sdelay $0x3  }
0x96: {  	_ =	strace s2  }
0x97: {  	_ =	strace $0x8FFFFFFF  }
0x98: {  	s19 =	sld [smem:$0x3FDB];
	_ =	sdelay $0x1  }
0x99: {  	s20 =	simm.s32 $_scs_section_size  }
0x9a: {  	s4 =	simm.s32 $_size__tile_overlayer_lowered;
	s5 =	simm.s32 $_tile_overlayer_lowered  }
0x9b: {  	s6 =	simm.s32 $0x1BFF;
	s21 =	sshll.u32 s5, $0x1;
	s3 =	sadd.s32 s20, s19  }
0x9c: {  	s22 =	simm.s32 $0x0;
	s4 =	sshll.u32 s4, $0x1;
	s5 =	sadd.s32 s21, s3  }
0x9d: {  	[timem:s22], [sflag:s6] =	dma.local [hbm:s5], s4  }
0x9e: {  	_ =	swait.ge [sflag:s6], s4  }
0x9f: {  	s4 =	ssub.s32 $0x0, s4;
	[sflag:s6] =	ssyncset.done $0x0  }
0xa0: {  	[sflag:s6] =	ssyncadd.s32 s4;
	_ =	sdelay $0x1  }
0xa1: {  	s23 =	simm.s32 $0x1B8B  }
0xa2: {  	_ =	swait.ge [sflag:s23], $0x1  }
0xa3: {  	[sflag:s23] =	ssyncset.done $0x0  }
0xa4: {  	[sflag:s23] =	ssyncadd.s32 $0xFFFFFFFF  }
0xa5: {  	s4 =	sld [smem:$0x0]  }
0xa6: {  	s5 =	sand.u32 $0xFFFFFFFE, s1  }
0xa7: {  	p0 =	sne.s32 s1, s5  }
0xa8: {  	s5 =	sshll.u32 @p0 s5, $0xE  }
0xa9: {  	s5 =	sadd.s32 @p0 $0x11B8D, s5;
	s6 =	sshll.u32 @p0 s4, $0x11  }
0xaa: {  	s5 =	sor.u32 @p0 s6, s5  }
0xab: {  	[sflag:s5] =	ssyncadd.remote.s32 @p0 $0x1;
	_ =	sdelay $0x1  }
0xac: {  	s5 =	simm.s32 @p0 $0x1B8D  }
0xad: {  	_ =	swait.eq @p0 [sflag:s5], $0x1  }
0xae: {  	[sflag:s5] =	ssyncadd.s32 @p0 $0xFFFFFFFF  }
0xaf: {  	s6 =	sshll.u32 @!p0 s1, $0xE  }
0xb0: {  	s6 =	sor.u32 @!p0 $0x4000, s6;
	s5 =	simm.s32 @!p0 $0x1B8D  }
0xb1: {  	s4 =	sshll.u32 @!p0 s4, $0x11;
	s6 =	sadd.s32 @!p0 $0x11B8D, s6;
	_ =	swait.eq @!p0 [sflag:s5], $0x1  }
0xb2: {  	s4 =	sor.u32 @!p0 s4, s6;
	[sflag:s5] =	ssyncadd.s32 @!p0 $0xFFFFFFFF  }
0xb3: {  	s25 =	simm.s32 $0x1B8E;
	s24 =	sld [smem:$0x3FFE];
	[sflag:s4] =	ssyncadd.remote.s32 @!p0 $0x1  }
0xb4: {  	s26 =	simm.s32 $execute0_lowered;
	[smem:$0x3FD2] =	sst s25  }
0xb5: {  	s5 =	sshll.u32 s26, $0x1;
	_ =	strace $0x8000004E;
	[dreg:$0x1] =	wrdreg $0xFFFFFFFF  }
0xb6: {  	s28 =	simm.s32 $_size_execute0_lowered;
	s3 =	sadd.s32 s3, s5;
	[dreg:$0x0] =	wrdreg $0x0  }
0xb7: {  	s5 =	sshll.u32 s28, $0x1;
	[dreg:$0x2] =	wrdreg s3  }
0xb8: {  	[dreg:$0x3] =	wrdreg s5  }
0xb9: {  	[dreg:$0x4] =	wrdreg $0xC0  }
0xba: {  	_ =	task [dreg:s22], $0x5FFFF  }
0xbb: {  	[dreg:$0x1] =	wrdreg $0xFFFFFFFF  }
0xbc: {  	[dreg:$0x0] =	wrdreg $0x60  }
0xbd: {  	[dreg:$0x2] =	wrdreg s24  }
0xbe: {  	[dreg:$0x3] =	wrdreg $0xA  }
0xbf: {  	_ =	task.clear_ibuf [dreg:s22], $0x4FFFF;
	_ =	strace $0x9000004E  }
0xc0: {  	s29 =	simm.s32 $0xA;
	_ =	strace $0x80000054  }
0xc1: {  	_ =	swait.ge [sflag:s29], $0x1  }
0xc2: {  	[sflag:s29] =	ssyncadd.s32 $0xFFFFFFFF  }
0xc3: {  	_ =	strace $0x90000054  }
0xc4: {  	_ =	sfence  }
0xc5: {  	s30 =	sld [smem:$0x0];
	_ =	sdelay $0x2  }
0xc6: {  	s31 =	sshll.u32 s1, $0xD;
	s1 =	sshrl.u32 s1, $0x2  }
0xc7: {  	s4 =	sand.u32 $0x4000, s31;
	s1 =	sadd.s32 s1, s30  }
0xc8: {  	s0 =	sor.u32 s4, s0;
	s1 =	sshll.u32 s1, $0x11  }
0xc9: {  	s0 =	sor.u32 s1, s0  }
0xca: {  	s0 =	sadd.s32 $0x8F2B, s0  }
0xcb: {  	[sflag:s0] =	ssyncadd.remote.s32 $0x1  }
0xcc: {  	_ =	sfence.sel $0xFFFF  }
0xcd: {  	[dreg:$0x0] =	wrdreg $0xFFFFFFFF;
	(pc) =	sbr.abs _section_cstart, $3  }
0xce: {  	[dreg:$0x1] =	wrdreg $0xFFFFFFFF  }
0xcf: {  	_ =	task.clear_ibuf [dreg:s22], $0x2FFFF;
	_ =	strace $0x9FFFFFFF  }
0xd0: {  	(tm) =	ssettm $0x7FFFFFFF  }
0xd1: {  	_ =	shalt  }
tec
execute0_lowered:
.L_overlay_start_1:
0x0: {  	(tag) =	ssettag $0x1  }
0x1: {  	s1 =	srdreg.scid;
	s0 =	stileid.u32  }
0x2: {  	s3 =	rddreg [dreg:$0x0];
	s8 =	simm.s32 $0x80;
	s9 =	simm.s32 $0x400  }
0x3: {  	s4 =	sand.u32 $0x1, s1;
	s2 =	sshll.u32 s0, $0x1;
	s1 =	rddreg [dreg:$0x1]  }
0x4: {  	s6 =	sshrl.u32 s0, $0x2;
	s5 =	sor.u32 s4, s2;
	s2 =	simm.s32 $0x0  }
0x5: {  	s6 =	smul.u32 $0x14000, s6;
	s4 =	ssub.s32 $0x2, s4;
	s7 =	sshll.u32 s5, $0x7  }
0x6: {  	[smem:$0x7FF] =	sst s2;
	s5 =	smul.u32 $0x500, s5;
	s7 =	sand.u32 $0x380, s7  }
0x7: {  	s31 =	sshrl.u32 s4, $0x1;
	_ =	strace $0x8000004F;
	s6 =	sor.u32 s6, s7  }
0x8: {  	s5 =	sadd.s32 s5, s3;
	s7 =	ssub.s32 s4, s31;
	s6 =	sshrl.u32 s6, $0x3  }
0x9: {  	s6 =	sadd.s32 s6, s3;
	s3 =	sadd.s32 $0x2A800, s5;
	s5 =	smax.u32 s7, $0x1  }
0xa: {  	v0 =	vimm.f32 $0.0e+00;
	v1 =	vimm.f32 $1.000000000e+00;
	s7 =	simm.s32 $0x2800;
	s4 =	sadd.s32 $0x84800, s6;
	s6 =	simm.s32 $0x1  }
.LBB2_1:
0xb: {  	_ =	strace $0x80000050;
	s10 =	simm.s32 $0x40;
	s11 =	simm.s32 $0x0  }
.LBB2_2:
0xc: {  	p0 =	sne.s32 s10, $0x9FC0;
	[tilespmem:s11+$0x2800] =	vst v0;
	s11 =	smov.u32 s10;
	s10 =	sadd.s32 $0x40, s10  }
.Ltmp0:
0xd: {  	(pc) =	sbr.rel @p0 .LBB2_2-.Ltmp0, $2  }
0xe: {  	_ =	sdelay $0x2  }
0xf: {  	s11 =	sshra.s32 s11, $0x2  }
0x10: {  	[tilespmem:s11+$0x2800] =	vst v0  }
0x11: {  	_ =	strace $0x90000050  }
0x12: {  	s10 =	simm.s32 $0x0;
	_ =	strace $0x80000051  }
0x13: {  	[tilespmem:s10], [sflag:$0x1] =	stream.linear.gather [hbm4b:s3+s10], $0x2800, $0x200038;
	[tilespmem:$0x5000] =	vst v63  }
0x14: {  	_ =	swait.ge [sflag:s6], $0x2800  }
0x15: {  	[sflag:s6] =	ssyncset.done $0x0  }
0x16: {  	[sflag:s6] =	ssyncadd.s32 $0xFFFFD800  }
0x17: {  	_ =	strace $0x90000051  }
0x18: {  	_ =	strace $0x80000052  }
.LBB2_4:
0x19: {  	s11 =	sshra.s32 s10, $0x2  }
0x1a: {  	v2 =	vld [tilespmem:s11+$0x0];
	_ =	sdelay $0x7  }
0x1b: {  	[tilespmem:v2+s7+$0x0] =	vst.idx.add.f32.msk $0xffff, v1  }
0x1c: {  	v2 =	vld [tilespmem:s11+$0x10];
	_ =	sdelay $0x7  }
0x1d: {  	[tilespmem:v2+s7+$0x0] =	vst.idx.add.f32.msk $0xffff, v1  }
0x1e: {  	v2 =	vld [tilespmem:s11+$0x20];
	_ =	sdelay $0x7  }
0x1f: {  	[tilespmem:v2+s7+$0x0] =	vst.idx.add.f32.msk $0xffff, v1  }
0x20: {  	v2 =	vld [tilespmem:s11+$0x30];
	_ =	sdelay $0x7  }
0x21: {  	[tilespmem:v2+s7+$0x0] =	vst.idx.add.f32.msk $0xffff, v1  }
0x22: {  	v2 =	vld [tilespmem:s11+$0x40];
	_ =	sdelay $0x7  }
0x23: {  	[tilespmem:v2+s7+$0x0] =	vst.idx.add.f32.msk $0xffff, v1  }
0x24: {  	v2 =	vld [tilespmem:s11+$0x50];
	_ =	sdelay $0x7  }
0x25: {  	[tilespmem:v2+s7+$0x0] =	vst.idx.add.f32.msk $0xffff, v1  }
0x26: {  	v2 =	vld [tilespmem:s11+$0x60];
	_ =	sdelay $0x7  }
0x27: {  	[tilespmem:v2+s7+$0x0] =	vst.idx.add.f32.msk $0xffff, v1  }
0x28: {  	v2 =	vld [tilespmem:s11+$0x70];
	_ =	sdelay $0x2  }
0x29: {  	p0 =	sne.s32 s10, $0x9E00  }
.Ltmp1:
0x2a: {  	_ = 	snop;
	(pc) =	sbr.rel @p0 .LBB2_4-.Ltmp1, $2  }
0x2b: {  	_ =	sdelay $0x2  }
0x2c: {  	s10 =	sadd.s32 $0x200, s10;
	[tilespmem:v2+s7+$0x0] =	vst.idx.add.f32.msk $0xffff, v1  }
0x2d: {  	_ =	strace $0x90000052;
	s2 =	sadd.s32 $0x1, s2  }
0x2e: {  	_ =	strace $0x80000053;
	p0 =	sne.s32 s2, s5  }
0x2f: {  	[hbm4b:s4+s8] =	stream.strided.scatter [tilespmem:s7], [sflag:$0x1], $0x2800, s9, s8, $0x200038;
	[tilespmem:$0x5000] =	vst v63  }
.Ltmp2:
0x30: {  	_ = 	snop;
	(pc) =	sbr.rel @p0 .LBB2_1-.Ltmp2, $4  }
0x31: {  	_ =	swait.ge [sflag:s6], $0x2800  }
0x32: {  	[sflag:s6] =	ssyncset.done $0x0  }
0x33: {  	[sflag:s6] =	ssyncadd.s32 $0xFFFFD800  }
0x34: {  	_ =	strace $0x90000053  }
0x35: {  	_ =	sfence.sel $0x180000  }
0x36: {  	[bflag:$0x0] =	sbarrier.arrive $0xFFFF  }
0x37: {  	p0 =	sne.s32 s0, $0x0;
	_ =	strace $0x9000004F  }
0x38: {  	s0 =	sadd.s32 @!p0 $0x100000, s1;
	[bflag:$0x2] =	sbarrier.arrive $0xFFFF  }
0x39: {  	[sflag:s0] =	ssyncadd.tile.s32 @!p0 $0x1;
	_ =	shalt  }
.Lfunc_end2:
_tile_overlayer_lowered:
.L_overlay_start_2:
0x3a: {  	(tag) =	ssettag $0x2  }
0x3b: {  	s0 =	rddreg [dreg:$0x0];
	s2 =	stileid.u32  }
0x3c: {  	s1 =	rddreg [dreg:$0x1];
	p0 =	sne.s32 s2, $0x0  }
0x3d: {  	s3 =	rddreg [dreg:$0x2];
	[bflag:$0x3] =	sbarrier.arrive $0xFFFF;
	s2 =	simm.s32 @!p0 $0x1C01  }
0x3e: {  	[timem:s3], [sflag:s2] =	dma.local @!p0 [hbm:s0], s1  }
0x3f: {  	s0 =	simm.s32 @!p0 $0x1  }
0x40: {  	_ =	swait.ge @!p0 [sflag:s0], s1  }
0x41: {  	s1 =	ssub.s32 @!p0 $0x0, s1;
	[sflag:s0] =	ssyncset.done @!p0 $0x0  }
0x42: {  	[sflag:s0] =	ssyncadd.s32 @!p0 s1  }
0x43: {  	[bflag:$0x3] =	sbarrier.arrive $0xFFFF  }
0x44: {  	_ =	shalt  }

// kernel: kernel.13.cloned.1.call-start
scs
__scs_entry_jumppad:
0x0: {  	(pc) =	sbr.rel $0x88, $3  }
0x1: {  	(tag) =	ssettag $0x0;
	lr =	simm.s32 $0x1  }
0x2: {  	[smem:$0x3F99] =	sst lr;
	_ =	strace $0xD0000000  }
0x3: {  	_ = 	snop  }
0x4: {  	_ = 	snop  }
0x5: {  	_ = 	snop  }
0x6: {  	_ = 	snop  }
0x7: {  	_ = 	snop  }
__scs_overlays_trampoline_lowered:
0x8: {  	[smem:$0x3FA8] =	sst s0  }
0x9: {  	[smem:$0x3FA9] =	sst s1  }
0xa: {  	[smem:$0x3FAA] =	sst s2  }
0xb: {  	[smem:$0x3FAB] =	sst s3  }
0xc: {  	[smem:$0x3FAC] =	sst s4  }
0xd: {  	[smem:$0x3FAD] =	sst s5  }
0xe: {  	[smem:$0x3FAE] =	sst s6  }
0xf: {  	[smem:$0x3FAF] =	sst s7  }
0x10: {  	[smem:$0x3FB0] =	sst s8  }
0x11: {  	[smem:$0x3FB1] =	sst s9;
	s0 =	simm.s32 @!p0 $0x0  }
0x12: {  	s1 =	sld [smem:$0x3F97];
	s0 =	simm.s32 @p0 $0x1  }
0x13: {  	[smem:$0x3FB2] =	sst s0;
	s0 =	simm.s32 @!p1 $0x0  }
0x14: {  	s2 =	sld [smem:$0x3F96];
	s0 =	simm.s32 @p1 $0x1  }
0x15: {  	[smem:$0x3FB3] =	sst s0;
	s0 =	simm.s32 @!p2 $0x0  }
0x16: {  	s3 =	sld [smem:$0x3FDB];
	s0 =	simm.s32 @p2 $0x1  }
0x17: {  	s4 =	simm.s32 $0x1BF5;
	[smem:$0x3FB5] =	sst s0  }
0x18: {  	s0 =	sld [smem:$0x3F98];
	_ =	swait.ge [sflag:s4], $0x0  }
0x19: {  	s7 =	sld [smem:$0x3F99]  }
0x1a: {  	s8 =	sadd.s32 $0xFFFFE003, lr  }
0x1b: {  	s9 =	sadd.s32 $0xFFFFFEF7, lr;
	s5 =	simm.s32 $0xFFFFFFFF;
	p2 =	slt.u32 s8, $0xFFFFF086  }
0x1c: {  	p1 =	slt.u32 s9, $0xF7A;
	s5 =	simm.s32 @!p2 $0x0  }
0x1d: {  	s5 =	simm.s32 @p1 $0x1;
	p0 =	seq.s32 s7, s2  }
0x1e: {  	s7 =	smul.u32 @!p0 $0xF7A, s2;
	p2 =	seq.s32 @!p0 s5, $0x0  }
0x1f: {  	s9 =	smul.u32 $0xF7A, s1;
	s8 =	simm.s32 @!p0 $0x1BF5;
	p2 =	por !p2, p0  }
0x20: {  	[sflag:s8] =	ssyncset.s32 @!p0 $0xFFFFF086;
	s6 =	sadd.s32 @!p0 s3, s7;
	s7 =	simm.s32 @!p0 $0x108  }
0x21: {  	s3 =	sadd.s32 s3, s9;
	s6 =	sadd.s32 @!p0 $0x88, s6;
	s7 =	simm.s32 @p2 $0x1082  }
0x22: {  	[simem:s7], [sflag:s8] =	dma.local @!p0 [hbm:s6], $0xF7A  }
0x23: {  	s9 =	sor.u32 $0xD0000000, s2;
	s6 =	simm.s32 $0x108;
	_ =	swait.ge @!p0 [sflag:s8], $0x0  }
0x24: {  	s3 =	sadd.s32 $0x88, s3;
	s6 =	simm.s32 @!p1 $0x1082;
	[sflag:s4] =	ssyncset.s32 $0xFFFFF086  }
0x25: {  	[simem:s6], [sflag:s4] =	dma.local [hbm:s3], $0xF7A  }
0x26: {  	[smem:$0x3F99] =	sst s1;
	(tag) =	ssettag s2;
	_ =	strace s9  }
0x27: {  	s1 =	sld [smem:$0x3FA9]  }
0x28: {  	s2 =	sld [smem:$0x3FAA]  }
0x29: {  	s4 =	sld [smem:$0x3FAC]  }
0x2a: {  	p0 =	seq.s32 s5, $0x0;
	s5 =	sld [smem:$0x3FAD]  }
0x2b: {  	s6 =	sld [smem:$0x3FAE]  }
0x2c: {  	s7 =	sld [smem:$0x3FAF]  }
0x2d: {  	s3 =	simm.s32 $0x108;
	s8 =	sld [smem:$0x3FB0]  }
0x2e: {  	s3 =	simm.s32 @!p0 $0x1082;
	s9 =	sld [smem:$0x3FB1]  }
0x2f: {  	lr =	sadd.s32 s0, s3;
	s0 =	sld [smem:$0x3FA8]  }
0x30: {  	s3 =	sld [smem:$0x3FAB]  }
0x31: {  	[smem:$0x3FB4] =	sst s10  }
0x32: {  	s10 =	sld [smem:$0x3FB2];
	_ =	sdelay $0x3  }
0x33: {  	p0 =	seq.s32 s10, $0x1;
	s10 =	sld [smem:$0x3FB4];
	_ =	sdelay $0x3  }
0x34: {  	[smem:$0x3FB4] =	sst s10  }
0x35: {  	s10 =	sld [smem:$0x3FB3];
	_ =	sdelay $0x3  }
0x36: {  	p1 =	seq.s32 s10, $0x1;
	s10 =	sld [smem:$0x3FB4];
	_ =	sdelay $0x3  }
0x37: {  	[smem:$0x3FB4] =	sst s10  }
0x38: {  	s10 =	sld [smem:$0x3FB5]  }
0x39: {  	_ = 	snop;
	(pc) =	sbr.ind lr, $3  }
0x3a: {  	_ = 	snop  }
0x3b: {  	_ = 	snop  }
0x3c: {  	p2 =	seq.s32 s10, $0x1;
	s10 =	sld [smem:$0x3FB4]  }
0x3d: {  	_ =	shalt  }
0x3e: {  	_ =	shalt  }
0x3f: {  	_ =	shalt  }
0x40: {  	_ =	shalt  }
0x41: {  	_ =	shalt  }
0x42: {  	_ =	shalt  }
0x43: {  	_ =	shalt  }
0x44: {  	_ =	shalt  }
0x45: {  	_ =	shalt  }
0x46: {  	_ =	shalt  }
0x47: {  	_ =	shalt  }
0x48: {  	_ =	shalt  }
0x49: {  	_ =	shalt  }
0x4a: {  	_ =	shalt  }
0x4b: {  	_ =	shalt  }
0x4c: {  	_ =	shalt  }
0x4d: {  	_ =	shalt  }
0x4e: {  	_ =	shalt  }
0x4f: {  	_ =	shalt  }
0x50: {  	_ =	shalt  }
0x51: {  	_ =	shalt  }
0x52: {  	_ =	shalt  }
0x53: {  	_ =	shalt  }
0x54: {  	_ =	shalt  }
0x55: {  	_ =	shalt  }
0x56: {  	_ =	shalt  }
0x57: {  	_ =	shalt  }
0x58: {  	_ =	shalt  }
0x59: {  	_ =	shalt  }
0x5a: {  	_ =	shalt  }
0x5b: {  	_ =	shalt  }
0x5c: {  	_ =	shalt  }
0x5d: {  	_ =	shalt  }
0x5e: {  	_ =	shalt  }
0x5f: {  	_ =	shalt  }
0x60: {  	_ =	shalt  }
0x61: {  	_ =	shalt  }
0x62: {  	_ =	shalt  }
0x63: {  	_ =	shalt  }
0x64: {  	_ =	shalt  }
0x65: {  	_ =	shalt  }
0x66: {  	_ =	shalt  }
0x67: {  	_ =	shalt  }
0x68: {  	_ =	shalt  }
0x69: {  	_ =	shalt  }
0x6a: {  	_ =	shalt  }
0x6b: {  	_ =	shalt  }
0x6c: {  	_ =	shalt  }
0x6d: {  	_ =	shalt  }
0x6e: {  	_ =	shalt  }
0x6f: {  	_ =	shalt  }
0x70: {  	_ =	shalt  }
0x71: {  	_ =	shalt  }
0x72: {  	_ =	shalt  }
0x73: {  	_ =	shalt  }
0x74: {  	_ =	shalt  }
0x75: {  	_ =	shalt  }
0x76: {  	_ =	shalt  }
0x77: {  	_ =	shalt  }
0x78: {  	_ =	shalt  }
0x79: {  	_ =	shalt  }
0x7a: {  	_ =	shalt  }
0x7b: {  	_ =	shalt  }
0x7c: {  	_ =	shalt  }
0x7d: {  	_ =	shalt  }
0x7e: {  	_ =	shalt  }
0x7f: {  	_ =	shalt  }
0x80: {  	_ =	shalt  }
0x81: {  	_ =	shalt  }
0x82: {  	_ =	shalt  }
0x83: {  	_ =	shalt  }
0x84: {  	_ =	shalt  }
0x85: {  	_ =	shalt  }
0x86: {  	_ =	shalt  }
0x87: {  	_ =	shalt  }
.Lfunc_end0:
.L_simem_size_0:
called_computation.2_lowered:
.L_overlay_start_0:
0x88: {  	s2 =	sld [smem:$0x3FD9]  }
0x89: {  	s3 =	sld [smem:$0x3FFE];
	_ =	sdelay $0x1  }
0x8a: {  	s1 =	srdreg.scid  }
0x8b: {  	s0 =	sand.u32 $0x1, s1  }
0x8c: {  	s17 =	sshll.u32 s0, $0xA;
	s2 =	sadd.s32 s3, s2  }
0x8d: {  	s2 =	sadd.s32 s2, s17  }
0x8e: {  	[smem:$0x3FC0] =	sst s2  }
0x8f: {  	_ = 	snop  }
0x90: {  	s2 =	sld [smem:$0x3FD0];
	(tm) =	ssettm $0x1  }
0x91: {  	s18 =	sld [smem:$0x3FFB];
	_ =	sdelay $0x3  }
0x92: {  	_ =	strace s18  }
0x93: {  	s3 =	sld [smem:$0x3FFC];
	_ =	sdelay $0x3  }
0x94: {  	_ =	strace s3  }
0x95: {  	s3 =	sld [smem:$0x3FFD];
	_ =	sdelay $0x3  }
0x96: {  	_ =	strace s3  }
0x97: {  	_ =	strace $0x8FFFFFFF  }
0x98: {  	s19 =	sld [smem:$0x3FDB];
	_ =	sdelay $0x1  }
0x99: {  	s4 =	simm.s32 $_scs_section_size  }
0x9a: {  	s5 =	simm.s32 $_size__tile_overlayer_lowered;
	s6 =	simm.s32 $_tile_overlayer_lowered  }
0x9b: {  	s22 =	simm.s32 $0x1BFF;
	s21 =	sshll.u32 s6, $0x1;
	s3 =	sadd.s32 s4, s19  }
0x9c: {  	s7 =	simm.s32 $0x0;
	s20 =	sshll.u32 s5, $0x1;
	s5 =	sadd.s32 s21, s3  }
0x9d: {  	[timem:s7], [sflag:s22] =	dma.local [hbm:s5], s20  }
0x9e: {  	_ =	swait.ge [sflag:s22], s20  }
0x9f: {  	s4 =	ssub.s32 $0x0, s20;
	[sflag:s22] =	ssyncset.done $0x0  }
0xa0: {  	[sflag:s22] =	ssyncadd.s32 s4;
	_ =	sdelay $0x1  }
0xa1: {  	s23 =	simm.s32 $0x1B8B  }
0xa2: {  	_ =	swait.ge [sflag:s23], $0x1  }
0xa3: {  	[sflag:s23] =	ssyncset.done $0x0  }
0xa4: {  	s25 =	simm.s32 $0x1B8E;
	s24 =	sld [smem:$0x3FFE];
	[sflag:s23] =	ssyncadd.s32 $0xFFFFFFFF  }
0xa5: {  	s26 =	simm.s32 $execute0_lowered;
	[smem:$0x3FD2] =	sst s25  }
0xa6: {  	s5 =	sshll.u32 s26, $0x1;
	_ =	strace $0x80000055;
	[dreg:$0x1] =	wrdreg $0xFFFFFFFF  }
0xa7: {  	s28 =	simm.s32 $_size_execute0_lowered;
	s3 =	sadd.s32 s3, s5;
	[dreg:$0x0] =	wrdreg $0x0  }
0xa8: {  	s5 =	sshll.u32 s28, $0x1;
	[dreg:$0x2] =	wrdreg s3  }
0xa9: {  	[dreg:$0x3] =	wrdreg s5  }
0xaa: {  	[dreg:$0x4] =	wrdreg $0xC0  }
0xab: {  	_ =	task [dreg:s7], $0x5FFFF  }
0xac: {  	[dreg:$0x1] =	wrdreg $0xFFFFFFFF  }
0xad: {  	[dreg:$0x0] =	wrdreg $0x60  }
0xae: {  	[dreg:$0x2] =	wrdreg s24  }
0xaf: {  	[dreg:$0x3] =	wrdreg s2  }
0xb0: {  	[dreg:$0x4] =	wrdreg $0xB0000  }
0xb1: {  	[dreg:$0x5] =	wrdreg $0x9  }
0xb2: {  	_ =	task.clear_ibuf [dreg:s7], $0x6FFFF;
	_ =	strace $0x90000055  }
0xb3: {  	s29 =	simm.s32 $0x9;
	_ =	strace $0x8000005C  }
0xb4: {  	_ =	swait.ge [sflag:s29], $0x1  }
0xb5: {  	[sflag:s29] =	ssyncadd.s32 $0xFFFFFFFF  }
0xb6: {  	_ =	strace $0x9000005C  }
0xb7: {  	_ =	sfence  }
0xb8: {  	s30 =	sld [smem:$0x0];
	_ =	sdelay $0x2  }
0xb9: {  	s31 =	sshll.u32 s1, $0xD;
	s1 =	sshrl.u32 s1, $0x2  }
0xba: {  	s3 =	sand.u32 $0x4000, s31;
	s1 =	sadd.s32 s1, s30  }
0xbb: {  	s0 =	sor.u32 s3, s0;
	s1 =	sshll.u32 s1, $0x11  }
0xbc: {  	s0 =	sor.u32 s1, s0  }
0xbd: {  	s0 =	sadd.s32 $0x8F2B, s0  }
0xbe: {  	[sflag:s0] =	ssyncadd.remote.s32 $0x1  }
0xbf: {  	_ =	sfence.sel $0xFFFF  }
0xc0: {  	[dreg:$0x0] =	wrdreg $0xFFFFFFFF;
	(pc) =	sbr.abs _section_cstart, $3  }
0xc1: {  	[dreg:$0x1] =	wrdreg $0xFFFFFFFF  }
0xc2: {  	_ =	task.clear_ibuf [dreg:s7], $0x2FFFF;
	_ =	strace $0x9FFFFFFF  }
0xc3: {  	(tm) =	ssettm $0x7FFFFFFF  }
tec
execute0_lowered:
.L_overlay_start_1:
0x0: {  	(tag) =	ssettag $0x1  }
0x1: {  	s5 =	rddreg [dreg:$0x0]  }
0x2: {  	s8 =	rddreg [dreg:$0x1]  }
0x3: {  	s1 =	rddreg [dreg:$0x2]  }
0x4: {  	s0 =	rddreg [dreg:$0x3];
	s2 =	simm.s32 $0x0  }
0x5: {  	s3 =	srdreg.scid;
	s15 =	simm.s32 $0x80;
	s16 =	simm.s32 $0x2800  }
0x6: {  	s17 =	simm.s32 $0x6800;
	s18 =	simm.s32 $0x1;
	s19 =	simm.s32 $0x2  }
0x7: {  	s20 =	simm.s32 $0x2700;
	[smem:$0x7FF] =	sst s2;
	s6 =	sand.u32 $0x1, s3  }
0x8: {  	s21 =	simm.s32 $0x2780;
	s3 =	stileid.u32;
	s7 =	smul.u32 $0x28000, s6  }
0x9: {  	s4 =	sadd.s32 $0x2800, s5;
	s9 =	smul.u32 $0x2800, s3;
	s10 =	sshll.u32 s3, $0x1  }
0xa: {  	s11 =	sadd.s32 $0x2A800, s5;
	s12 =	smul.u32 $0x50000, s3;
	s10 =	sor.u32 s6, s10  }
0xb: {  	_ =	strace $0x80000056;
	s6 =	ssub.s32 $0x2, s6;
	s28 =	smul.u32 $0x2800, s10  }
0xc: {  	s7 =	sadd.s32 s9, s7;
	s29 =	sshrl.u32 s6, $0x1;
	s30 =	smul.u32 $0x500, s10  }
0xd: {  	s31 =	sshrl.u32 s12, $0x2;
	s12 =	simm.s32 $0xA800;
	s13 =	sadd.s32 s7, s5  }
0xe: {  	s14 =	ssub.s32 s6, s29;
	s5 =	sadd.s32 s31, s1;
	s9 =	sshrl.u32 s28, $0x3  }
0xf: {  	s6 =	sadd.s32 s8, s30;
	s7 =	sadd.s32 s11, s30;
	s9 =	sadd.s32 $0x280, s9  }
0x10: {  	s10 =	sadd.s32 $0x34800, s13;
	s13 =	simm.s32 $0x3;
	s8 =	sadd.s32 s8, s9  }
0x11: {  	v0 =	vimm.f32 $0.0e+00;
	s9 =	sadd.s32 s11, s9;
	s11 =	smax.u32 s14, $0x1;
	s14 =	simm.s32 $0x1400  }
.LBB2_1:
0x12: {  	_ =	strace $0x80000057;
	s22 =	simm.s32 $0x0;
	s23 =	simm.s32 $0x200  }
.LBB2_2:
0x13: {  	p0 =	sne.s32 s23, $0x1E00;
	[tilespmem:s22+$0xA870] =	vst v0  }
0x14: {  	[tilespmem:s22+$0xA800] =	vst v0  }
0x15: {  	[tilespmem:s22+$0xA810] =	vst v0  }
.Ltmp0:
0x16: {  	[tilespmem:s22+$0xA820] =	vst v0;
	(pc) =	sbr.rel @p0 .LBB2_2-.Ltmp0, $4  }
0x17: {  	[tilespmem:s22+$0xA830] =	vst v0  }
0x18: {  	[tilespmem:s22+$0xA840] =	vst v0  }
0x19: {  	[tilespmem:s22+$0xA850] =	vst v0  }
0x1a: {  	[tilespmem:s22+$0xA860] =	vst v0;
	s22 =	sshra.s32 s23, $0x2;
	s23 =	sadd.s32 $0x200, s23  }
0x1b: {  	[tilespmem:s22+$0xA870] =	vst v0  }
0x1c: {  	[tilespmem:s22+$0xA800] =	vst v0  }
0x1d: {  	[tilespmem:s22+$0xA810] =	vst v0  }
0x1e: {  	[tilespmem:s22+$0xA820] =	vst v0  }
0x1f: {  	[tilespmem:s22+$0xA830] =	vst v0  }
0x20: {  	[tilespmem:s22+$0xA840] =	vst v0  }
0x21: {  	[tilespmem:s22+$0xA850] =	vst v0  }
0x22: {  	[tilespmem:s22+$0xA860] =	vst v0  }
0x23: {  	_ =	strace $0x90000057  }
0x24: {  	s31 =	sadd.s32 $0x0, s5;
	_ =	strace $0x80000058  }
0x25: {  	[spmem:s31] =	stream.linear.scatter [tilespmem:s12], [sflag:$0x3], $0x800, $0x200038;
	[tilespmem:$0x1F000] =	vst v63  }
0x26: {  	s22 =	simm.s32 $0x2000;
	_ =	swait.ge [sflag:s13], $0x800  }
.LBB2_4:
0x27: {  	s23 =	sshra.s32 s22, $0x2;
	[sflag:s13] =	ssyncset.done $0x0;
	p0 =	sne.s32 s22, $0x4E000  }
.Ltmp1:
0x28: {  	s23 =	sadd.s32 s23, s5;
	[sflag:s13] =	ssyncadd.s32 $0xFFFFF800;
	(pc) =	sbr.rel @p0 .LBB2_4-.Ltmp1, $3  }
0x29: {  	[spmem:s23] =	stream.linear.scatter [tilespmem:s12], [sflag:$0x3], $0x800, $0x200038;
	[tilespmem:$0x1F000] =	vst v63  }
0x2a: {  	s22 =	sadd.s32 $0x2000, s22;
	_ =	sdelay $0x1  }
0x2b: {  	_ =	swait.ge [sflag:s13], $0x800  }
0x2c: {  	[sflag:s13] =	ssyncset.done $0x0  }
0x2d: {  	[sflag:s13] =	ssyncadd.s32 $0xFFFFF800  }
0x2e: {  	_ =	strace $0x90000058  }
0x2f: {  	[bflag:$0x0] =	sbarrier.arrive $0xFFFF  }
0x30: {  	s22 =	simm.s32 $0x0;
	_ =	strace $0x80000059  }
0x31: {  	[tilespmem:s22], [sflag:$0x3] =	stream.linear.gather [hbm4b:s6+s22], $0x1400, $0x200038;
	[tilespmem:$0x1F000] =	vst v63  }
0x32: {  	_ =	swait.ge [sflag:s13], $0x1400  }
0x33: {  	[sflag:s13] =	ssyncset.done $0x0  }
0x34: {  	[sflag:s13] =	ssyncadd.s32 $0xFFFFEC00  }
0x35: {  	[tilespmem:s14], [sflag:$0x3] =	stream.linear.gather [hbm4b:s7+s22], $0x1400, $0x200038;
	[tilespmem:$0x1F000] =	vst v63  }
0x36: {  	_ =	swait.ge [sflag:s13], $0x1400  }
0x37: {  	[sflag:s13] =	ssyncset.done $0x0  }
0x38: {  	[sflag:s13] =	ssyncadd.s32 $0xFFFFEC00  }
0x39: {  	[tilespmem:s16], [sflag:$0x1] =	stream.indirect.gather [hbm4b:s4+s15], $0x80, s22, s15, $0x2000b8;
	[tilespmem:$0x1F000] =	vst v63  }
0x3a: {  	_ = 	snop  }
0x3b: {  	[tilespmem:s17], [sflag:$0x2] =	stream.indirect.gather [hbm4b:s4+s15], $0x80, s15, s15, $0x2000b8;
	[tilespmem:$0x1F000] =	vst v63  }
0x3c: {  	_ =	swait.ge [sflag:s18], $0x4000  }
0x3d: {  	[sflag:s18] =	ssyncset.done $0x0  }
0x3e: {  	s29 =	simm.s32 $0x1400;
	[sflag:s18] =	ssyncadd.s32 $0xFFFFC000  }
0x3f: {  	[spmem:s1] =	stream.indirect.scatter.add.f32 [tilespmem:s16], [sflag:$0x3], $0x80, s29, s15, $0x2000b8;
	[tilespmem:$0x1F000] =	vst v63  }
0x40: {  	_ =	swait.ge [sflag:s13], $0x4000  }
0x41: {  	[sflag:s13] =	ssyncset.done $0x0  }
0x42: {  	s30 =	simm.s32 $0x100;
	[sflag:s13] =	ssyncadd.s32 $0xFFFFC000  }
0x43: {  	[tilespmem:s16], [sflag:$0x1] =	stream.indirect.gather [hbm4b:s4+s15], $0x80, s30, s15, $0x2000b8;
	[tilespmem:$0x1F000] =	vst v63  }
0x44: {  	_ =	swait.ge [sflag:s19], $0x4000  }
0x45: {  	[sflag:s19] =	ssyncset.done $0x0  }
0x46: {  	s31 =	simm.s32 $0x1480;
	[sflag:s19] =	ssyncadd.s32 $0xFFFFC000  }
0x47: {  	[spmem:s1] =	stream.indirect.scatter.add.f32 [tilespmem:s17], [sflag:$0x3], $0x80, s31, s15, $0x2000b8;
	[tilespmem:$0x1F000] =	vst v63  }
0x48: {  	_ =	swait.ge [sflag:s13], $0x4000  }
0x49: {  	[sflag:s13] =	ssyncset.done $0x0  }
0x4a: {  	s23 =	simm.s32 $0x180;
	s22 =	simm.s32 $0x400;
	[sflag:s13] =	ssyncadd.s32 $0xFFFFC000  }
.LBB2_6:
0x4b: {  	[tilespmem:s17], [sflag:$0x2] =	stream.indirect.gather [hbm4b:s4+s15], $0x80, s23, s15, $0x2000b8;
	[tilespmem:$0x1F000] =	vst v63  }
0x4c: {  	s23 =	smov.u32 s22  }
0x4d: {  	p0 =	sne.s32 s22, $0x4800;
	s22 =	sadd.s32 $0x400, s22;
	_ =	swait.ge [sflag:s18], $0x4000  }
0x4e: {  	s23 =	sshra.s32 s23, $0x2;
	[sflag:s18] =	ssyncset.done $0x0  }
0x4f: {  	s24 =	sadd.s32 $0x1400, s23;
	[sflag:s18] =	ssyncadd.s32 $0xFFFFC000  }
0x50: {  	[spmem:s1] =	stream.indirect.scatter.add.f32 [tilespmem:s16], [sflag:$0x3], $0x80, s24, s15, $0x2000b8;
	[tilespmem:$0x1F000] =	vst v63  }
0x51: {  	_ =	swait.ge [sflag:s13], $0x4000  }
0x52: {  	[sflag:s13] =	ssyncset.done $0x0  }
0x53: {  	s24 =	sadd.s32 $0x100, s23;
	[sflag:s13] =	ssyncadd.s32 $0xFFFFC000  }
0x54: {  	[tilespmem:s16], [sflag:$0x1] =	stream.indirect.gather [hbm4b:s4+s15], $0x80, s24, s15, $0x2000b8;
	[tilespmem:$0x1F000] =	vst v63  }
0x55: {  	_ =	swait.ge [sflag:s19], $0x4000  }
0x56: {  	[sflag:s19] =	ssyncset.done $0x0  }
.Ltmp2:
0x57: {  	s24 =	sadd.s32 $0x1480, s23;
	[sflag:s19] =	ssyncadd.s32 $0xFFFFC000;
	(pc) =	sbr.rel @p0 .LBB2_6-.Ltmp2, $4  }
0x58: {  	[spmem:s1] =	stream.indirect.scatter.add.f32 [tilespmem:s17], [sflag:$0x3], $0x80, s24, s15, $0x2000b8;
	[tilespmem:$0x1F000] =	vst v63  }
0x59: {  	_ =	swait.ge [sflag:s13], $0x4000  }
0x5a: {  	[sflag:s13] =	ssyncset.done $0x0  }
0x5b: {  	s23 =	sadd.s32 $0x180, s23;
	[sflag:s13] =	ssyncadd.s32 $0xFFFFC000  }
0x5c: {  	[tilespmem:s17], [sflag:$0x2] =	stream.indirect.gather [hbm4b:s4+s15], $0x80, s23, s15, $0x2000b8;
	[tilespmem:$0x1F000] =	vst v63  }
0x5d: {  	_ =	swait.ge [sflag:s18], $0x4000  }
0x5e: {  	[sflag:s18] =	ssyncset.done $0x0  }
0x5f: {  	[sflag:s18] =	ssyncadd.s32 $0xFFFFC000  }
0x60: {  	[spmem:s1] =	stream.indirect.scatter.add.f32 [tilespmem:s16], [sflag:$0x3], $0x80, s20, s15, $0x2000b8;
	[tilespmem:$0x1F000] =	vst v63  }
0x61: {  	_ =	swait.ge [sflag:s13], $0x4000  }
0x62: {  	[sflag:s13] =	ssyncset.done $0x0  }
0x63: {  	[sflag:s13] =	ssyncadd.s32 $0xFFFFC000  }
0x64: {  	_ =	swait.ge [sflag:s19], $0x4000  }
0x65: {  	[sflag:s19] =	ssyncset.done $0x0  }
0x66: {  	[sflag:s19] =	ssyncadd.s32 $0xFFFFC000  }
0x67: {  	[spmem:s1] =	stream.indirect.scatter.add.f32 [tilespmem:s17], [sflag:$0x3], $0x80, s21, s15, $0x2000b8;
	[tilespmem:$0x1F000] =	vst v63  }
0x68: {  	_ =	swait.ge [sflag:s13], $0x4000  }
0x69: {  	[sflag:s13] =	ssyncset.done $0x0  }
0x6a: {  	s22 =	simm.s32 $0x0;
	[sflag:s13] =	ssyncadd.s32 $0xFFFFC000  }
0x6b: {  	[tilespmem:s22], [sflag:$0x3] =	stream.linear.gather [hbm4b:s8+s22], $0x1400, $0x200038;
	[tilespmem:$0x1F000] =	vst v63  }
0x6c: {  	_ =	swait.ge [sflag:s13], $0x1400  }
0x6d: {  	[sflag:s13] =	ssyncset.done $0x0  }
0x6e: {  	[sflag:s13] =	ssyncadd.s32 $0xFFFFEC00  }
0x6f: {  	[tilespmem:s14], [sflag:$0x3] =	stream.linear.gather [hbm4b:s9+s22], $0x1400, $0x200038;
	[tilespmem:$0x1F000] =	vst v63  }
0x70: {  	_ =	swait.ge [sflag:s13], $0x1400  }
0x71: {  	[sflag:s13] =	ssyncset.done $0x0  }
0x72: {  	[sflag:s13] =	ssyncadd.s32 $0xFFFFEC00  }
0x73: {  	[tilespmem:s16], [sflag:$0x1] =	stream.indirect.gather [hbm4b:s4+s15], $0x80, s22, s15, $0x2000b8;
	[tilespmem:$0x1F000] =	vst v63  }
0x74: {  	_ = 	snop  }
0x75: {  	[tilespmem:s17], [sflag:$0x2] =	stream.indirect.gather [hbm4b:s4+s15], $0x80, s15, s15, $0x2000b8;
	[tilespmem:$0x1F000] =	vst v63  }
0x76: {  	_ =	swait.ge [sflag:s18], $0x4000  }
0x77: {  	[sflag:s18] =	ssyncset.done $0x0  }
0x78: {  	s29 =	simm.s32 $0x1400;
	[sflag:s18] =	ssyncadd.s32 $0xFFFFC000  }
0x79: {  	[spmem:s1] =	stream.indirect.scatter.add.f32 [tilespmem:s16], [sflag:$0x3], $0x80, s29, s15, $0x2000b8;
	[tilespmem:$0x1F000] =	vst v63  }
0x7a: {  	_ =	swait.ge [sflag:s13], $0x4000  }
0x7b: {  	[sflag:s13] =	ssyncset.done $0x0  }
0x7c: {  	s30 =	simm.s32 $0x100;
	[sflag:s13] =	ssyncadd.s32 $0xFFFFC000  }
0x7d: {  	[tilespmem:s16], [sflag:$0x1] =	stream.indirect.gather [hbm4b:s4+s15], $0x80, s30, s15, $0x2000b8;
	[tilespmem:$0x1F000] =	vst v63  }
0x7e: {  	_ =	swait.ge [sflag:s19], $0x4000  }
0x7f: {  	[sflag:s19] =	ssyncset.done $0x0  }
0x80: {  	s31 =	simm.s32 $0x1480;
	[sflag:s19] =	ssyncadd.s32 $0xFFFFC000  }
0x81: {  	[spmem:s1] =	stream.indirect.scatter.add.f32 [tilespmem:s17], [sflag:$0x3], $0x80, s31, s15, $0x2000b8;
	[tilespmem:$0x1F000] =	vst v63  }
0x82: {  	_ =	swait.ge [sflag:s13], $0x4000  }
0x83: {  	[sflag:s13] =	ssyncset.done $0x0  }
0x84: {  	s23 =	simm.s32 $0x180;
	s22 =	simm.s32 $0x400;
	[sflag:s13] =	ssyncadd.s32 $0xFFFFC000  }
.LBB2_8:
0x85: {  	[tilespmem:s17], [sflag:$0x2] =	stream.indirect.gather [hbm4b:s4+s15], $0x80, s23, s15, $0x2000b8;
	[tilespmem:$0x1F000] =	vst v63  }
0x86: {  	s23 =	smov.u32 s22  }
0x87: {  	p0 =	sne.s32 s22, $0x4800;
	s22 =	sadd.s32 $0x400, s22;
	_ =	swait.ge [sflag:s18], $0x4000  }
0x88: {  	s23 =	sshra.s32 s23, $0x2;
	[sflag:s18] =	ssyncset.done $0x0  }
0x89: {  	s24 =	sadd.s32 $0x1400, s23;
	[sflag:s18] =	ssyncadd.s32 $0xFFFFC000  }
0x8a: {  	[spmem:s1] =	stream.indirect.scatter.add.f32 [tilespmem:s16], [sflag:$0x3], $0x80, s24, s15, $0x2000b8;
	[tilespmem:$0x1F000] =	vst v63  }
0x8b: {  	_ =	swait.ge [sflag:s13], $0x4000  }
0x8c: {  	[sflag:s13] =	ssyncset.done $0x0  }
0x8d: {  	s24 =	sadd.s32 $0x100, s23;
	[sflag:s13] =	ssyncadd.s32 $0xFFFFC000  }
0x8e: {  	[tilespmem:s16], [sflag:$0x1] =	stream.indirect.gather [hbm4b:s4+s15], $0x80, s24, s15, $0x2000b8;
	[tilespmem:$0x1F000] =	vst v63  }
0x8f: {  	_ =	swait.ge [sflag:s19], $0x4000  }
0x90: {  	[sflag:s19] =	ssyncset.done $0x0  }
.Ltmp3:
0x91: {  	s24 =	sadd.s32 $0x1480, s23;
	[sflag:s19] =	ssyncadd.s32 $0xFFFFC000;
	(pc) =	sbr.rel @p0 .LBB2_8-.Ltmp3, $4  }
0x92: {  	[spmem:s1] =	stream.indirect.scatter.add.f32 [tilespmem:s17], [sflag:$0x3], $0x80, s24, s15, $0x2000b8;
	[tilespmem:$0x1F000] =	vst v63  }
0x93: {  	_ =	swait.ge [sflag:s13], $0x4000  }
0x94: {  	[sflag:s13] =	ssyncset.done $0x0  }
0x95: {  	s23 =	sadd.s32 $0x180, s23;
	[sflag:s13] =	ssyncadd.s32 $0xFFFFC000  }
0x96: {  	[tilespmem:s17], [sflag:$0x2] =	stream.indirect.gather [hbm4b:s4+s15], $0x80, s23, s15, $0x2000b8;
	[tilespmem:$0x1F000] =	vst v63  }
0x97: {  	_ =	swait.ge [sflag:s18], $0x4000  }
0x98: {  	[sflag:s18] =	ssyncset.done $0x0  }
0x99: {  	[sflag:s18] =	ssyncadd.s32 $0xFFFFC000  }
0x9a: {  	[spmem:s1] =	stream.indirect.scatter.add.f32 [tilespmem:s16], [sflag:$0x3], $0x80, s20, s15, $0x2000b8;
	[tilespmem:$0x1F000] =	vst v63  }
0x9b: {  	_ =	swait.ge [sflag:s13], $0x4000  }
0x9c: {  	[sflag:s13] =	ssyncset.done $0x0  }
0x9d: {  	[sflag:s13] =	ssyncadd.s32 $0xFFFFC000  }
0x9e: {  	_ =	swait.ge [sflag:s19], $0x4000  }
0x9f: {  	[sflag:s19] =	ssyncset.done $0x0  }
0xa0: {  	[sflag:s19] =	ssyncadd.s32 $0xFFFFC000  }
0xa1: {  	[spmem:s1] =	stream.indirect.scatter.add.f32 [tilespmem:s17], [sflag:$0x3], $0x80, s21, s15, $0x2000b8;
	[tilespmem:$0x1F000] =	vst v63  }
0xa2: {  	_ =	swait.ge [sflag:s13], $0x4000  }
0xa3: {  	[sflag:s13] =	ssyncset.done $0x0  }
0xa4: {  	[sflag:s13] =	ssyncadd.s32 $0xFFFFC000  }
0xa5: {  	_ =	strace $0x90000059  }
0xa6: {  	_ =	strace $0x8000005A  }
0xa7: {  	s22 =	sshll.u32 s3, $0x6;
	[bflag:$0x0] =	sbarrier.arrive $0xFFFF  }
0xa8: {  	s31 =	sshrl.u32 s5, $0x3;
	s2 =	sadd.s32 $0x1, s2;
	_ =	strace $0x9000005A  }
0xa9: {  	s22 =	sor.u32 $0x1C03, s22;
	p0 =	sne.s32 s2, s11;
	_ =	strace $0x8000005B  }
0xaa: {  	[hbm:s10], [sflag:s22] =	dma.local [spmem:s31], $0x2800  }
.Ltmp4:
0xab: {  	_ = 	snop;
	(pc) =	sbr.rel @p0 .LBB2_1-.Ltmp4, $4  }
0xac: {  	_ =	swait.ge [sflag:s13], $0x2800  }
0xad: {  	[sflag:s13] =	ssyncset.done $0x0  }
0xae: {  	[sflag:s13] =	ssyncadd.s32 $0xFFFFD800  }
0xaf: {  	_ =	strace $0x9000005B  }
0xb0: {  	_ =	sfence.sel $0x180000  }
0xb1: {  	[bflag:$0x0] =	sbarrier.arrive $0xFFFF  }
0xb2: {  	p0 =	sne.s32 s3, $0x0;
	_ =	strace $0x90000056  }
0xb3: {  	s0 =	sadd.s32 @!p0 $0x100000, s0;
	[bflag:$0x2] =	sbarrier.arrive $0xFFFF  }
0xb4: {  	[sflag:s0] =	ssyncadd.tile.s32 @!p0 $0x1;
	_ =	shalt  }
.Lfunc_end2:
_tile_overlayer_lowered:
.L_overlay_start_2:
0xb5: {  	(tag) =	ssettag $0x2  }
0xb6: {  	s0 =	rddreg [dreg:$0x0];
	s2 =	stileid.u32  }
0xb7: {  	s1 =	rddreg [dreg:$0x1];
	p0 =	sne.s32 s2, $0x0  }
0xb8: {  	s3 =	rddreg [dreg:$0x2];
	[bflag:$0x3] =	sbarrier.arrive $0xFFFF;
	s2 =	simm.s32 @!p0 $0x1C03  }
0xb9: {  	[timem:s3], [sflag:s2] =	dma.local @!p0 [hbm:s0], s1  }
0xba: {  	s0 =	simm.s32 @!p0 $0x3  }
0xbb: {  	_ =	swait.ge @!p0 [sflag:s0], s1  }
0xbc: {  	s1 =	ssub.s32 @!p0 $0x0, s1;
	[sflag:s0] =	ssyncset.done @!p0 $0x0  }
0xbd: {  	[sflag:s0] =	ssyncadd.s32 @!p0 s1  }
0xbe: {  	[bflag:$0x3] =	sbarrier.arrive $0xFFFF  }
0xbf: {  	_ =	shalt  }

// kernel: kernel.7.cloned.1.call-start
scs
__scs_entry_jumppad:
0x0: {  	(pc) =	sbr.rel $0x88, $3  }
0x1: {  	(tag) =	ssettag $0x0;
	lr =	simm.s32 $0x1  }
0x2: {  	[smem:$0x3F99] =	sst lr;
	_ =	strace $0xD0000000  }
0x3: {  	_ = 	snop  }
0x4: {  	_ = 	snop  }
0x5: {  	_ = 	snop  }
0x6: {  	_ = 	snop  }
0x7: {  	_ = 	snop  }
__scs_overlays_trampoline_lowered:
0x8: {  	[smem:$0x3FA8] =	sst s0  }
0x9: {  	[smem:$0x3FA9] =	sst s1  }
0xa: {  	[smem:$0x3FAA] =	sst s2  }
0xb: {  	[smem:$0x3FAB] =	sst s3  }
0xc: {  	[smem:$0x3FAC] =	sst s4  }
0xd: {  	[smem:$0x3FAD] =	sst s5  }
0xe: {  	[smem:$0x3FAE] =	sst s6  }
0xf: {  	[smem:$0x3FAF] =	sst s7  }
0x10: {  	[smem:$0x3FB0] =	sst s8  }
0x11: {  	[smem:$0x3FB1] =	sst s9;
	s0 =	simm.s32 @!p0 $0x0  }
0x12: {  	s1 =	sld [smem:$0x3F97];
	s0 =	simm.s32 @p0 $0x1  }
0x13: {  	[smem:$0x3FB2] =	sst s0;
	s0 =	simm.s32 @!p1 $0x0  }
0x14: {  	s2 =	sld [smem:$0x3F96];
	s0 =	simm.s32 @p1 $0x1  }
0x15: {  	[smem:$0x3FB3] =	sst s0;
	s0 =	simm.s32 @!p2 $0x0  }
0x16: {  	s3 =	sld [smem:$0x3FDB];
	s0 =	simm.s32 @p2 $0x1  }
0x17: {  	s4 =	simm.s32 $0x1BF5;
	[smem:$0x3FB5] =	sst s0  }
0x18: {  	s0 =	sld [smem:$0x3F98];
	_ =	swait.ge [sflag:s4], $0x0  }
0x19: {  	s7 =	sld [smem:$0x3F99]  }
0x1a: {  	s8 =	sadd.s32 $0xFFFFE003, lr  }
0x1b: {  	s9 =	sadd.s32 $0xFFFFFEF7, lr;
	s5 =	simm.s32 $0xFFFFFFFF;
	p2 =	slt.u32 s8, $0xFFFFF086  }
0x1c: {  	p1 =	slt.u32 s9, $0xF7A;
	s5 =	simm.s32 @!p2 $0x0  }
0x1d: {  	s5 =	simm.s32 @p1 $0x1;
	p0 =	seq.s32 s7, s2  }
0x1e: {  	s7 =	smul.u32 @!p0 $0xF7A, s2;
	p2 =	seq.s32 @!p0 s5, $0x0  }
0x1f: {  	s9 =	smul.u32 $0xF7A, s1;
	s8 =	simm.s32 @!p0 $0x1BF5;
	p2 =	por !p2, p0  }
0x20: {  	[sflag:s8] =	ssyncset.s32 @!p0 $0xFFFFF086;
	s6 =	sadd.s32 @!p0 s3, s7;
	s7 =	simm.s32 @!p0 $0x108  }
0x21: {  	s3 =	sadd.s32 s3, s9;
	s6 =	sadd.s32 @!p0 $0x88, s6;
	s7 =	simm.s32 @p2 $0x1082  }
0x22: {  	[simem:s7], [sflag:s8] =	dma.local @!p0 [hbm:s6], $0xF7A  }
0x23: {  	s9 =	sor.u32 $0xD0000000, s2;
	s6 =	simm.s32 $0x108;
	_ =	swait.ge @!p0 [sflag:s8], $0x0  }
0x24: {  	s3 =	sadd.s32 $0x88, s3;
	s6 =	simm.s32 @!p1 $0x1082;
	[sflag:s4] =	ssyncset.s32 $0xFFFFF086  }
0x25: {  	[simem:s6], [sflag:s4] =	dma.local [hbm:s3], $0xF7A  }
0x26: {  	[smem:$0x3F99] =	sst s1;
	(tag) =	ssettag s2;
	_ =	strace s9  }
0x27: {  	s1 =	sld [smem:$0x3FA9]  }
0x28: {  	s2 =	sld [smem:$0x3FAA]  }
0x29: {  	s4 =	sld [smem:$0x3FAC]  }
0x2a: {  	p0 =	seq.s32 s5, $0x0;
	s5 =	sld [smem:$0x3FAD]  }
0x2b: {  	s6 =	sld [smem:$0x3FAE]  }
0x2c: {  	s7 =	sld [smem:$0x3FAF]  }
0x2d: {  	s3 =	simm.s32 $0x108;
	s8 =	sld [smem:$0x3FB0]  }
0x2e: {  	s3 =	simm.s32 @!p0 $0x1082;
	s9 =	sld [smem:$0x3FB1]  }
0x2f: {  	lr =	sadd.s32 s0, s3;
	s0 =	sld [smem:$0x3FA8]  }
0x30: {  	s3 =	sld [smem:$0x3FAB]  }
0x31: {  	[smem:$0x3FB4] =	sst s10  }
0x32: {  	s10 =	sld [smem:$0x3FB2];
	_ =	sdelay $0x3  }
0x33: {  	p0 =	seq.s32 s10, $0x1;
	s10 =	sld [smem:$0x3FB4];
	_ =	sdelay $0x3  }
0x34: {  	[smem:$0x3FB4] =	sst s10  }
0x35: {  	s10 =	sld [smem:$0x3FB3];
	_ =	sdelay $0x3  }
0x36: {  	p1 =	seq.s32 s10, $0x1;
	s10 =	sld [smem:$0x3FB4];
	_ =	sdelay $0x3  }
0x37: {  	[smem:$0x3FB4] =	sst s10  }
0x38: {  	s10 =	sld [smem:$0x3FB5]  }
0x39: {  	_ = 	snop;
	(pc) =	sbr.ind lr, $3  }
0x3a: {  	_ = 	snop  }
0x3b: {  	_ = 	snop  }
0x3c: {  	p2 =	seq.s32 s10, $0x1;
	s10 =	sld [smem:$0x3FB4]  }
0x3d: {  	_ =	shalt  }
0x3e: {  	_ =	shalt  }
0x3f: {  	_ =	shalt  }
0x40: {  	_ =	shalt  }
0x41: {  	_ =	shalt  }
0x42: {  	_ =	shalt  }
0x43: {  	_ =	shalt  }
0x44: {  	_ =	shalt  }
0x45: {  	_ =	shalt  }
0x46: {  	_ =	shalt  }
0x47: {  	_ =	shalt  }
0x48: {  	_ =	shalt  }
0x49: {  	_ =	shalt  }
0x4a: {  	_ =	shalt  }
0x4b: {  	_ =	shalt  }
0x4c: {  	_ =	shalt  }
0x4d: {  	_ =	shalt  }
0x4e: {  	_ =	shalt  }
0x4f: {  	_ =	shalt  }
0x50: {  	_ =	shalt  }
0x51: {  	_ =	shalt  }
0x52: {  	_ =	shalt  }
0x53: {  	_ =	shalt  }
0x54: {  	_ =	shalt  }
0x55: {  	_ =	shalt  }
0x56: {  	_ =	shalt  }
0x57: {  	_ =	shalt  }
0x58: {  	_ =	shalt  }
0x59: {  	_ =	shalt  }
0x5a: {  	_ =	shalt  }
0x5b: {  	_ =	shalt  }
0x5c: {  	_ =	shalt  }
0x5d: {  	_ =	shalt  }
0x5e: {  	_ =	shalt  }
0x5f: {  	_ =	shalt  }
0x60: {  	_ =	shalt  }
0x61: {  	_ =	shalt  }
0x62: {  	_ =	shalt  }
0x63: {  	_ =	shalt  }
0x64: {  	_ =	shalt  }
0x65: {  	_ =	shalt  }
0x66: {  	_ =	shalt  }
0x67: {  	_ =	shalt  }
0x68: {  	_ =	shalt  }
0x69: {  	_ =	shalt  }
0x6a: {  	_ =	shalt  }
0x6b: {  	_ =	shalt  }
0x6c: {  	_ =	shalt  }
0x6d: {  	_ =	shalt  }
0x6e: {  	_ =	shalt  }
0x6f: {  	_ =	shalt  }
0x70: {  	_ =	shalt  }
0x71: {  	_ =	shalt  }
0x72: {  	_ =	shalt  }
0x73: {  	_ =	shalt  }
0x74: {  	_ =	shalt  }
0x75: {  	_ =	shalt  }
0x76: {  	_ =	shalt  }
0x77: {  	_ =	shalt  }
0x78: {  	_ =	shalt  }
0x79: {  	_ =	shalt  }
0x7a: {  	_ =	shalt  }
0x7b: {  	_ =	shalt  }
0x7c: {  	_ =	shalt  }
0x7d: {  	_ =	shalt  }
0x7e: {  	_ =	shalt  }
0x7f: {  	_ =	shalt  }
0x80: {  	_ =	shalt  }
0x81: {  	_ =	shalt  }
0x82: {  	_ =	shalt  }
0x83: {  	_ =	shalt  }
0x84: {  	_ =	shalt  }
0x85: {  	_ =	shalt  }
0x86: {  	_ =	shalt  }
0x87: {  	_ =	shalt  }
.Lfunc_end0:
.L_simem_size_0:
called_computation_lowered:
.L_overlay_start_0:
0x88: {  	s2 =	sld [smem:$0x3FD9]  }
0x89: {  	s3 =	sld [smem:$0x3FFE];
	_ =	sdelay $0x1  }
0x8a: {  	s1 =	srdreg.scid  }
0x8b: {  	s0 =	sand.u32 $0x1, s1  }
0x8c: {  	s17 =	sshll.u32 s0, $0xA;
	s2 =	sadd.s32 s3, s2  }
0x8d: {  	s2 =	sadd.s32 s2, s17  }
0x8e: {  	[smem:$0x3FC0] =	sst s2  }
0x8f: {  	_ = 	snop  }
0x90: {  	s2 =	sld [smem:$0x3FD0];
	(tm) =	ssettm $0x1  }
0x91: {  	s18 =	sld [smem:$0x3FFB];
	_ =	sdelay $0x3  }
0x92: {  	_ =	strace s18  }
0x93: {  	s3 =	sld [smem:$0x3FFC];
	_ =	sdelay $0x3  }
0x94: {  	_ =	strace s3  }
0x95: {  	s3 =	sld [smem:$0x3FFD];
	_ =	sdelay $0x3  }
0x96: {  	_ =	strace s3  }
0x97: {  	_ =	strace $0x8FFFFFFF  }
0x98: {  	s19 =	sld [smem:$0x3FDB];
	_ =	sdelay $0x1  }
0x99: {  	s4 =	simm.s32 $_scs_section_size  }
0x9a: {  	s5 =	simm.s32 $_size__tile_overlayer_lowered;
	s6 =	simm.s32 $_tile_overlayer_lowered  }
0x9b: {  	s22 =	simm.s32 $0x1BFF;
	s21 =	sshll.u32 s6, $0x1;
	s3 =	sadd.s32 s4, s19  }
0x9c: {  	s7 =	simm.s32 $0x0;
	s20 =	sshll.u32 s5, $0x1;
	s5 =	sadd.s32 s21, s3  }
0x9d: {  	[timem:s7], [sflag:s22] =	dma.local [hbm:s5], s20  }
0x9e: {  	_ =	swait.ge [sflag:s22], s20  }
0x9f: {  	s4 =	ssub.s32 $0x0, s20;
	[sflag:s22] =	ssyncset.done $0x0  }
0xa0: {  	[sflag:s22] =	ssyncadd.s32 s4;
	_ =	sdelay $0x1  }
0xa1: {  	s23 =	simm.s32 $0x1B8B  }
0xa2: {  	_ =	swait.ge [sflag:s23], $0x1  }
0xa3: {  	[sflag:s23] =	ssyncset.done $0x0  }
0xa4: {  	s25 =	simm.s32 $0x1B8E;
	s24 =	sld [smem:$0x3FFE];
	[sflag:s23] =	ssyncadd.s32 $0xFFFFFFFF  }
0xa5: {  	s26 =	simm.s32 $execute0_lowered;
	[smem:$0x3FD2] =	sst s25  }
0xa6: {  	s5 =	sshll.u32 s26, $0x1;
	_ =	strace $0x80000046;
	[dreg:$0x1] =	wrdreg $0xFFFFFFFF  }
0xa7: {  	s28 =	simm.s32 $_size_execute0_lowered;
	s3 =	sadd.s32 s3, s5;
	[dreg:$0x0] =	wrdreg $0x0  }
0xa8: {  	s5 =	sshll.u32 s28, $0x1;
	[dreg:$0x2] =	wrdreg s3  }
0xa9: {  	[dreg:$0x3] =	wrdreg s5  }
0xaa: {  	[dreg:$0x4] =	wrdreg $0xC0  }
0xab: {  	_ =	task [dreg:s7], $0x5FFFF  }
0xac: {  	[dreg:$0x1] =	wrdreg $0xFFFFFFFF  }
0xad: {  	[dreg:$0x0] =	wrdreg $0x60  }
0xae: {  	[dreg:$0x2] =	wrdreg s24  }
0xaf: {  	[dreg:$0x3] =	wrdreg s2  }
0xb0: {  	[dreg:$0x4] =	wrdreg $0xB0000  }
0xb1: {  	[dreg:$0x5] =	wrdreg $0x9  }
0xb2: {  	_ =	task.clear_ibuf [dreg:s7], $0x6FFFF;
	_ =	strace $0x90000046  }
0xb3: {  	s29 =	simm.s32 $0x9;
	_ =	strace $0x8000004D  }
0xb4: {  	_ =	swait.ge [sflag:s29], $0x1  }
0xb5: {  	[sflag:s29] =	ssyncadd.s32 $0xFFFFFFFF  }
0xb6: {  	_ =	strace $0x9000004D  }
0xb7: {  	_ =	sfence  }
0xb8: {  	s30 =	sld [smem:$0x0];
	_ =	sdelay $0x2  }
0xb9: {  	s31 =	sshll.u32 s1, $0xD;
	s1 =	sshrl.u32 s1, $0x2  }
0xba: {  	s3 =	sand.u32 $0x4000, s31;
	s1 =	sadd.s32 s1, s30  }
0xbb: {  	s0 =	sor.u32 s3, s0;
	s1 =	sshll.u32 s1, $0x11  }
0xbc: {  	s0 =	sor.u32 s1, s0  }
0xbd: {  	s0 =	sadd.s32 $0x8F2B, s0  }
0xbe: {  	[sflag:s0] =	ssyncadd.remote.s32 $0x1  }
0xbf: {  	_ =	sfence.sel $0xFFFF  }
0xc0: {  	[dreg:$0x0] =	wrdreg $0xFFFFFFFF;
	(pc) =	sbr.abs _section_cstart, $3  }
0xc1: {  	[dreg:$0x1] =	wrdreg $0xFFFFFFFF  }
0xc2: {  	_ =	task.clear_ibuf [dreg:s7], $0x2FFFF;
	_ =	strace $0x9FFFFFFF  }
0xc3: {  	(tm) =	ssettm $0x7FFFFFFF  }
tec
execute0_lowered:
.L_overlay_start_1:
0x0: {  	(tag) =	ssettag $0x1  }
0x1: {  	s5 =	rddreg [dreg:$0x0]  }
0x2: {  	s8 =	rddreg [dreg:$0x1]  }
0x3: {  	s1 =	rddreg [dreg:$0x2]  }
0x4: {  	s0 =	rddreg [dreg:$0x3];
	s2 =	simm.s32 $0x0  }
0x5: {  	s3 =	srdreg.scid;
	s15 =	simm.s32 $0x80;
	s16 =	simm.s32 $0x2800  }
0x6: {  	s17 =	simm.s32 $0x6800;
	s18 =	simm.s32 $0x1;
	s19 =	simm.s32 $0x2  }
0x7: {  	s20 =	simm.s32 $0x2700;
	[smem:$0x7FF] =	sst s2;
	s6 =	sand.u32 $0x1, s3  }
0x8: {  	s21 =	simm.s32 $0x2780;
	s3 =	stileid.u32;
	s7 =	smul.u32 $0x28000, s6  }
0x9: {  	s4 =	sadd.s32 $0x2800, s5;
	s9 =	smul.u32 $0x2800, s3;
	s10 =	sshll.u32 s3, $0x1  }
0xa: {  	s11 =	sadd.s32 $0x2A800, s5;
	s12 =	smul.u32 $0x50000, s3;
	s10 =	sor.u32 s6, s10  }
0xb: {  	_ =	strace $0x80000047;
	s6 =	ssub.s32 $0x2, s6;
	s28 =	smul.u32 $0x2800, s10  }
0xc: {  	s7 =	sadd.s32 s9, s7;
	s29 =	sshrl.u32 s6, $0x1;
	s30 =	smul.u32 $0x500, s10  }
0xd: {  	s31 =	sshrl.u32 s12, $0x2;
	s12 =	simm.s32 $0xA800;
	s13 =	sadd.s32 s7, s5  }
0xe: {  	s14 =	ssub.s32 s6, s29;
	s5 =	sadd.s32 s31, s1;
	s9 =	sshrl.u32 s28, $0x3  }
0xf: {  	s6 =	sadd.s32 s8, s30;
	s7 =	sadd.s32 s11, s30;
	s9 =	sadd.s32 $0x280, s9  }
0x10: {  	s10 =	sadd.s32 $0x34800, s13;
	s13 =	simm.s32 $0x3;
	s8 =	sadd.s32 s8, s9  }
0x11: {  	v0 =	vimm.f32 $0.0e+00;
	s9 =	sadd.s32 s11, s9;
	s11 =	smax.u32 s14, $0x1;
	s14 =	simm.s32 $0x1400  }
.LBB2_1:
0x12: {  	_ =	strace $0x80000048;
	s22 =	simm.s32 $0x0;
	s23 =	simm.s32 $0x200  }
.LBB2_2:
0x13: {  	p0 =	sne.s32 s23, $0x1E00;
	[tilespmem:s22+$0xA870] =	vst v0  }
0x14: {  	[tilespmem:s22+$0xA800] =	vst v0  }
0x15: {  	[tilespmem:s22+$0xA810] =	vst v0  }
.Ltmp0:
0x16: {  	[tilespmem:s22+$0xA820] =	vst v0;
	(pc) =	sbr.rel @p0 .LBB2_2-.Ltmp0, $4  }
0x17: {  	[tilespmem:s22+$0xA830] =	vst v0  }
0x18: {  	[tilespmem:s22+$0xA840] =	vst v0  }
0x19: {  	[tilespmem:s22+$0xA850] =	vst v0  }
0x1a: {  	[tilespmem:s22+$0xA860] =	vst v0;
	s22 =	sshra.s32 s23, $0x2;
	s23 =	sadd.s32 $0x200, s23  }
0x1b: {  	[tilespmem:s22+$0xA870] =	vst v0  }
0x1c: {  	[tilespmem:s22+$0xA800] =	vst v0  }
0x1d: {  	[tilespmem:s22+$0xA810] =	vst v0  }
0x1e: {  	[tilespmem:s22+$0xA820] =	vst v0  }
0x1f: {  	[tilespmem:s22+$0xA830] =	vst v0  }
0x20: {  	[tilespmem:s22+$0xA840] =	vst v0  }
0x21: {  	[tilespmem:s22+$0xA850] =	vst v0  }
0x22: {  	[tilespmem:s22+$0xA860] =	vst v0  }
0x23: {  	_ =	strace $0x90000048  }
0x24: {  	s31 =	sadd.s32 $0x0, s5;
	_ =	strace $0x80000049  }
0x25: {  	[spmem:s31] =	stream.linear.scatter [tilespmem:s12], [sflag:$0x3], $0x800, $0x200038;
	[tilespmem:$0x1F000] =	vst v63  }
0x26: {  	s22 =	simm.s32 $0x2000;
	_ =	swait.ge [sflag:s13], $0x800  }
.LBB2_4:
0x27: {  	s23 =	sshra.s32 s22, $0x2;
	[sflag:s13] =	ssyncset.done $0x0;
	p0 =	sne.s32 s22, $0x4E000  }
.Ltmp1:
0x28: {  	s23 =	sadd.s32 s23, s5;
	[sflag:s13] =	ssyncadd.s32 $0xFFFFF800;
	(pc) =	sbr.rel @p0 .LBB2_4-.Ltmp1, $3  }
0x29: {  	[spmem:s23] =	stream.linear.scatter [tilespmem:s12], [sflag:$0x3], $0x800, $0x200038;
	[tilespmem:$0x1F000] =	vst v63  }
0x2a: {  	s22 =	sadd.s32 $0x2000, s22;
	_ =	sdelay $0x1  }
0x2b: {  	_ =	swait.ge [sflag:s13], $0x800  }
0x2c: {  	[sflag:s13] =	ssyncset.done $0x0  }
0x2d: {  	[sflag:s13] =	ssyncadd.s32 $0xFFFFF800  }
0x2e: {  	_ =	strace $0x90000049  }
0x2f: {  	[bflag:$0x0] =	sbarrier.arrive $0xFFFF  }
0x30: {  	s22 =	simm.s32 $0x0;
	_ =	strace $0x8000004A  }
0x31: {  	[tilespmem:s22], [sflag:$0x3] =	stream.linear.gather [hbm4b:s6+s22], $0x1400, $0x200038;
	[tilespmem:$0x1F000] =	vst v63  }
0x32: {  	_ =	swait.ge [sflag:s13], $0x1400  }
0x33: {  	[sflag:s13] =	ssyncset.done $0x0  }
0x34: {  	[sflag:s13] =	ssyncadd.s32 $0xFFFFEC00  }
0x35: {  	[tilespmem:s14], [sflag:$0x3] =	stream.linear.gather [hbm4b:s7+s22], $0x1400, $0x200038;
	[tilespmem:$0x1F000] =	vst v63  }
0x36: {  	_ =	swait.ge [sflag:s13], $0x1400  }
0x37: {  	[sflag:s13] =	ssyncset.done $0x0  }
0x38: {  	[sflag:s13] =	ssyncadd.s32 $0xFFFFEC00  }
0x39: {  	[tilespmem:s16], [sflag:$0x1] =	stream.indirect.gather [hbm4b:s4+s15], $0x80, s22, s15, $0x2000b8;
	[tilespmem:$0x1F000] =	vst v63  }
0x3a: {  	_ = 	snop  }
0x3b: {  	[tilespmem:s17], [sflag:$0x2] =	stream.indirect.gather [hbm4b:s4+s15], $0x80, s15, s15, $0x2000b8;
	[tilespmem:$0x1F000] =	vst v63  }
0x3c: {  	_ =	swait.ge [sflag:s18], $0x4000  }
0x3d: {  	[sflag:s18] =	ssyncset.done $0x0  }
0x3e: {  	s29 =	simm.s32 $0x1400;
	[sflag:s18] =	ssyncadd.s32 $0xFFFFC000  }
0x3f: {  	[spmem:s1] =	stream.indirect.scatter.add.f32 [tilespmem:s16], [sflag:$0x3], $0x80, s29, s15, $0x2000b8;
	[tilespmem:$0x1F000] =	vst v63  }
0x40: {  	_ =	swait.ge [sflag:s13], $0x4000  }
0x41: {  	[sflag:s13] =	ssyncset.done $0x0  }
0x42: {  	s30 =	simm.s32 $0x100;
	[sflag:s13] =	ssyncadd.s32 $0xFFFFC000  }
0x43: {  	[tilespmem:s16], [sflag:$0x1] =	stream.indirect.gather [hbm4b:s4+s15], $0x80, s30, s15, $0x2000b8;
	[tilespmem:$0x1F000] =	vst v63  }
0x44: {  	_ =	swait.ge [sflag:s19], $0x4000  }
0x45: {  	[sflag:s19] =	ssyncset.done $0x0  }
0x46: {  	s31 =	simm.s32 $0x1480;
	[sflag:s19] =	ssyncadd.s32 $0xFFFFC000  }
0x47: {  	[spmem:s1] =	stream.indirect.scatter.add.f32 [tilespmem:s17], [sflag:$0x3], $0x80, s31, s15, $0x2000b8;
	[tilespmem:$0x1F000] =	vst v63  }
0x48: {  	_ =	swait.ge [sflag:s13], $0x4000  }
0x49: {  	[sflag:s13] =	ssyncset.done $0x0  }
0x4a: {  	s23 =	simm.s32 $0x180;
	s22 =	simm.s32 $0x400;
	[sflag:s13] =	ssyncadd.s32 $0xFFFFC000  }
.LBB2_6:
0x4b: {  	[tilespmem:s17], [sflag:$0x2] =	stream.indirect.gather [hbm4b:s4+s15], $0x80, s23, s15, $0x2000b8;
	[tilespmem:$0x1F000] =	vst v63  }
0x4c: {  	s23 =	smov.u32 s22  }
0x4d: {  	p0 =	sne.s32 s22, $0x4800;
	s22 =	sadd.s32 $0x400, s22;
	_ =	swait.ge [sflag:s18], $0x4000  }
0x4e: {  	s23 =	sshra.s32 s23, $0x2;
	[sflag:s18] =	ssyncset.done $0x0  }
0x4f: {  	s24 =	sadd.s32 $0x1400, s23;
	[sflag:s18] =	ssyncadd.s32 $0xFFFFC000  }
0x50: {  	[spmem:s1] =	stream.indirect.scatter.add.f32 [tilespmem:s16], [sflag:$0x3], $0x80, s24, s15, $0x2000b8;
	[tilespmem:$0x1F000] =	vst v63  }
0x51: {  	_ =	swait.ge [sflag:s13], $0x4000  }
0x52: {  	[sflag:s13] =	ssyncset.done $0x0  }
0x53: {  	s24 =	sadd.s32 $0x100, s23;
	[sflag:s13] =	ssyncadd.s32 $0xFFFFC000  }
0x54: {  	[tilespmem:s16], [sflag:$0x1] =	stream.indirect.gather [hbm4b:s4+s15], $0x80, s24, s15, $0x2000b8;
	[tilespmem:$0x1F000] =	vst v63  }
0x55: {  	_ =	swait.ge [sflag:s19], $0x4000  }
0x56: {  	[sflag:s19] =	ssyncset.done $0x0  }
.Ltmp2:
0x57: {  	s24 =	sadd.s32 $0x1480, s23;
	[sflag:s19] =	ssyncadd.s32 $0xFFFFC000;
	(pc) =	sbr.rel @p0 .LBB2_6-.Ltmp2, $4  }
0x58: {  	[spmem:s1] =	stream.indirect.scatter.add.f32 [tilespmem:s17], [sflag:$0x3], $0x80, s24, s15, $0x2000b8;
	[tilespmem:$0x1F000] =	vst v63  }
0x59: {  	_ =	swait.ge [sflag:s13], $0x4000  }
0x5a: {  	[sflag:s13] =	ssyncset.done $0x0  }
0x5b: {  	s23 =	sadd.s32 $0x180, s23;
	[sflag:s13] =	ssyncadd.s32 $0xFFFFC000  }
0x5c: {  	[tilespmem:s17], [sflag:$0x2] =	stream.indirect.gather [hbm4b:s4+s15], $0x80, s23, s15, $0x2000b8;
	[tilespmem:$0x1F000] =	vst v63  }
0x5d: {  	_ =	swait.ge [sflag:s18], $0x4000  }
0x5e: {  	[sflag:s18] =	ssyncset.done $0x0  }
0x5f: {  	[sflag:s18] =	ssyncadd.s32 $0xFFFFC000  }
0x60: {  	[spmem:s1] =	stream.indirect.scatter.add.f32 [tilespmem:s16], [sflag:$0x3], $0x80, s20, s15, $0x2000b8;
	[tilespmem:$0x1F000] =	vst v63  }
0x61: {  	_ =	swait.ge [sflag:s13], $0x4000  }
0x62: {  	[sflag:s13] =	ssyncset.done $0x0  }
0x63: {  	[sflag:s13] =	ssyncadd.s32 $0xFFFFC000  }
0x64: {  	_ =	swait.ge [sflag:s19], $0x4000  }
0x65: {  	[sflag:s19] =	ssyncset.done $0x0  }
0x66: {  	[sflag:s19] =	ssyncadd.s32 $0xFFFFC000  }
0x67: {  	[spmem:s1] =	stream.indirect.scatter.add.f32 [tilespmem:s17], [sflag:$0x3], $0x80, s21, s15, $0x2000b8;
	[tilespmem:$0x1F000] =	vst v63  }
0x68: {  	_ =	swait.ge [sflag:s13], $0x4000  }
0x69: {  	[sflag:s13] =	ssyncset.done $0x0  }
0x6a: {  	s22 =	simm.s32 $0x0;
	[sflag:s13] =	ssyncadd.s32 $0xFFFFC000  }
0x6b: {  	[tilespmem:s22], [sflag:$0x3] =	stream.linear.gather [hbm4b:s8+s22], $0x1400, $0x200038;
	[tilespmem:$0x1F000] =	vst v63  }
0x6c: {  	_ =	swait.ge [sflag:s13], $0x1400  }
0x6d: {  	[sflag:s13] =	ssyncset.done $0x0  }
0x6e: {  	[sflag:s13] =	ssyncadd.s32 $0xFFFFEC00  }
0x6f: {  	[tilespmem:s14], [sflag:$0x3] =	stream.linear.gather [hbm4b:s9+s22], $0x1400, $0x200038;
	[tilespmem:$0x1F000] =	vst v63  }
0x70: {  	_ =	swait.ge [sflag:s13], $0x1400  }
0x71: {  	[sflag:s13] =	ssyncset.done $0x0  }
0x72: {  	[sflag:s13] =	ssyncadd.s32 $0xFFFFEC00  }
0x73: {  	[tilespmem:s16], [sflag:$0x1] =	stream.indirect.gather [hbm4b:s4+s15], $0x80, s22, s15, $0x2000b8;
	[tilespmem:$0x1F000] =	vst v63  }
0x74: {  	_ = 	snop  }
0x75: {  	[tilespmem:s17], [sflag:$0x2] =	stream.indirect.gather [hbm4b:s4+s15], $0x80, s15, s15, $0x2000b8;
	[tilespmem:$0x1F000] =	vst v63  }
0x76: {  	_ =	swait.ge [sflag:s18], $0x4000  }
0x77: {  	[sflag:s18] =	ssyncset.done $0x0  }
0x78: {  	s29 =	simm.s32 $0x1400;
	[sflag:s18] =	ssyncadd.s32 $0xFFFFC000  }
0x79: {  	[spmem:s1] =	stream.indirect.scatter.add.f32 [tilespmem:s16], [sflag:$0x3], $0x80, s29, s15, $0x2000b8;
	[tilespmem:$0x1F000] =	vst v63  }
0x7a: {  	_ =	swait.ge [sflag:s13], $0x4000  }
0x7b: {  	[sflag:s13] =	ssyncset.done $0x0  }
0x7c: {  	s30 =	simm.s32 $0x100;
	[sflag:s13] =	ssyncadd.s32 $0xFFFFC000  }
0x7d: {  	[tilespmem:s16], [sflag:$0x1] =	stream.indirect.gather [hbm4b:s4+s15], $0x80, s30, s15, $0x2000b8;
	[tilespmem:$0x1F000] =	vst v63  }
0x7e: {  	_ =	swait.ge [sflag:s19], $0x4000  }
0x7f: {  	[sflag:s19] =	ssyncset.done $0x0  }
0x80: {  	s31 =	simm.s32 $0x1480;
	[sflag:s19] =	ssyncadd.s32 $0xFFFFC000  }
0x81: {  	[spmem:s1] =	stream.indirect.scatter.add.f32 [tilespmem:s17], [sflag:$0x3], $0x80, s31, s15, $0x2000b8;
	[tilespmem:$0x1F000] =	vst v63  }
0x82: {  	_ =	swait.ge [sflag:s13], $0x4000  }
0x83: {  	[sflag:s13] =	ssyncset.done $0x0  }
0x84: {  	s23 =	simm.s32 $0x180;
	s22 =	simm.s32 $0x400;
	[sflag:s13] =	ssyncadd.s32 $0xFFFFC000  }
.LBB2_8:
0x85: {  	[tilespmem:s17], [sflag:$0x2] =	stream.indirect.gather [hbm4b:s4+s15], $0x80, s23, s15, $0x2000b8;
	[tilespmem:$0x1F000] =	vst v63  }
0x86: {  	s23 =	smov.u32 s22  }
0x87: {  	p0 =	sne.s32 s22, $0x4800;
	s22 =	sadd.s32 $0x400, s22;
	_ =	swait.ge [sflag:s18], $0x4000  }
0x88: {  	s23 =	sshra.s32 s23, $0x2;
	[sflag:s18] =	ssyncset.done $0x0  }
0x89: {  	s24 =	sadd.s32 $0x1400, s23;
	[sflag:s18] =	ssyncadd.s32 $0xFFFFC000  }
0x8a: {  	[spmem:s1] =	stream.indirect.scatter.add.f32 [tilespmem:s16], [sflag:$0x3], $0x80, s24, s15, $0x2000b8;
	[tilespmem:$0x1F000] =	vst v63  }
0x8b: {  	_ =	swait.ge [sflag:s13], $0x4000  }
0x8c: {  	[sflag:s13] =	ssyncset.done $0x0  }
0x8d: {  	s24 =	sadd.s32 $0x100, s23;
	[sflag:s13] =	ssyncadd.s32 $0xFFFFC000  }
0x8e: {  	[tilespmem:s16], [sflag:$0x1] =	stream.indirect.gather [hbm4b:s4+s15], $0x80, s24, s15, $0x2000b8;
	[tilespmem:$0x1F000] =	vst v63  }
0x8f: {  	_ =	swait.ge [sflag:s19], $0x4000  }
0x90: {  	[sflag:s19] =	ssyncset.done $0x0  }
.Ltmp3:
0x91: {  	s24 =	sadd.s32 $0x1480, s23;
	[sflag:s19] =	ssyncadd.s32 $0xFFFFC000;
	(pc) =	sbr.rel @p0 .LBB2_8-.Ltmp3, $4  }
0x92: {  	[spmem:s1] =	stream.indirect.scatter.add.f32 [tilespmem:s17], [sflag:$0x3], $0x80, s24, s15, $0x2000b8;
	[tilespmem:$0x1F000] =	vst v63  }
0x93: {  	_ =	swait.ge [sflag:s13], $0x4000  }
0x94: {  	[sflag:s13] =	ssyncset.done $0x0  }
0x95: {  	s23 =	sadd.s32 $0x180, s23;
	[sflag:s13] =	ssyncadd.s32 $0xFFFFC000  }
0x96: {  	[tilespmem:s17], [sflag:$0x2] =	stream.indirect.gather [hbm4b:s4+s15], $0x80, s23, s15, $0x2000b8;
	[tilespmem:$0x1F000] =	vst v63  }
0x97: {  	_ =	swait.ge [sflag:s18], $0x4000  }
0x98: {  	[sflag:s18] =	ssyncset.done $0x0  }
0x99: {  	[sflag:s18] =	ssyncadd.s32 $0xFFFFC000  }
0x9a: {  	[spmem:s1] =	stream.indirect.scatter.add.f32 [tilespmem:s16], [sflag:$0x3], $0x80, s20, s15, $0x2000b8;
	[tilespmem:$0x1F000] =	vst v63  }
0x9b: {  	_ =	swait.ge [sflag:s13], $0x4000  }
0x9c: {  	[sflag:s13] =	ssyncset.done $0x0  }
0x9d: {  	[sflag:s13] =	ssyncadd.s32 $0xFFFFC000  }
0x9e: {  	_ =	swait.ge [sflag:s19], $0x4000  }
0x9f: {  	[sflag:s19] =	ssyncset.done $0x0  }
0xa0: {  	[sflag:s19] =	ssyncadd.s32 $0xFFFFC000  }
0xa1: {  	[spmem:s1] =	stream.indirect.scatter.add.f32 [tilespmem:s17], [sflag:$0x3], $0x80, s21, s15, $0x2000b8;
	[tilespmem:$0x1F000] =	vst v63  }
0xa2: {  	_ =	swait.ge [sflag:s13], $0x4000  }
0xa3: {  	[sflag:s13] =	ssyncset.done $0x0  }
0xa4: {  	[sflag:s13] =	ssyncadd.s32 $0xFFFFC000  }
0xa5: {  	_ =	strace $0x9000004A  }
0xa6: {  	_ =	strace $0x8000004B  }
0xa7: {  	s22 =	sshll.u32 s3, $0x6;
	[bflag:$0x0] =	sbarrier.arrive $0xFFFF  }
0xa8: {  	s31 =	sshrl.u32 s5, $0x3;
	s2 =	sadd.s32 $0x1, s2;
	_ =	strace $0x9000004B  }
0xa9: {  	s22 =	sor.u32 $0x1C03, s22;
	p0 =	sne.s32 s2, s11;
	_ =	strace $0x8000004C  }
0xaa: {  	[hbm:s10], [sflag:s22] =	dma.local [spmem:s31], $0x2800  }
.Ltmp4:
0xab: {  	_ = 	snop;
	(pc) =	sbr.rel @p0 .LBB2_1-.Ltmp4, $4  }
0xac: {  	_ =	swait.ge [sflag:s13], $0x2800  }
0xad: {  	[sflag:s13] =	ssyncset.done $0x0  }
0xae: {  	[sflag:s13] =	ssyncadd.s32 $0xFFFFD800  }
0xaf: {  	_ =	strace $0x9000004C  }
0xb0: {  	_ =	sfence.sel $0x180000  }
0xb1: {  	[bflag:$0x0] =	sbarrier.arrive $0xFFFF  }
0xb2: {  	p0 =	sne.s32 s3, $0x0;
	_ =	strace $0x90000047  }
0xb3: {  	s0 =	sadd.s32 @!p0 $0x100000, s0;
	[bflag:$0x2] =	sbarrier.arrive $0xFFFF  }
0xb4: {  	[sflag:s0] =	ssyncadd.tile.s32 @!p0 $0x1;
	_ =	shalt  }
.Lfunc_end2:
_tile_overlayer_lowered:
.L_overlay_start_2:
0xb5: {  	(tag) =	ssettag $0x2  }
0xb6: {  	s0 =	rddreg [dreg:$0x0];
	s2 =	stileid.u32  }
0xb7: {  	s1 =	rddreg [dreg:$0x1];
	p0 =	sne.s32 s2, $0x0  }
0xb8: {  	s3 =	rddreg [dreg:$0x2];
	[bflag:$0x3] =	sbarrier.arrive $0xFFFF;
	s2 =	simm.s32 @!p0 $0x1C03  }
0xb9: {  	[timem:s3], [sflag:s2] =	dma.local @!p0 [hbm:s0], s1  }
0xba: {  	s0 =	simm.s32 @!p0 $0x3  }
0xbb: {  	_ =	swait.ge @!p0 [sflag:s0], s1  }
0xbc: {  	s1 =	ssub.s32 @!p0 $0x0, s1;
	[sflag:s0] =	ssyncset.done @!p0 $0x0  }
0xbd: {  	[sflag:s0] =	ssyncadd.s32 @!p0 s1  }
0xbe: {  	[bflag:$0x3] =	sbarrier.arrive $0xFFFF  }
0xbf: {  	_ =	shalt  }

</sc_bundles>
